<compile_context>
chip_gen: v7x
topology: tpu7x:2x2x1
jax: 0.10.2.dev20260603
libtpu: 0.0.44.dev20260713+nightly
codegen_flags: <defaults>
</compile_context>

<pallas_src>
import functools

import jax
import jax.numpy as jnp
from jax import lax
from jax.experimental import pallas as pl
from jax.experimental.pallas import tpu as pltpu
from jax.experimental.pallas import tpu_sc as plsc

_N = 500000
_B = 16384
_D = 64
_H = 128

_NW = 32
_ROWS_PER_W = _B // _NW
_CHUNK = 128
_NCH = _ROWS_PER_W // _CHUNK


@functools.cache
def _make_gather_sc():
    mesh = plsc.VectorSubcoreMesh(core_axis_name="c", subcore_axis_name="s")

    @functools.partial(
        pl.kernel,
        mesh=mesh,
        out_type=(
            jax.ShapeDtypeStruct((_B // _CHUNK, _CHUNK, 2 * _D), jnp.float32),
            jax.ShapeDtypeStruct((_B // _CHUNK, _CHUNK, 2 * _D), jnp.float32),
        ),
        scratch_types=[
            pltpu.VMEM((_NCH, _CHUNK), jnp.int32),
            pltpu.VMEM((_NCH, _CHUNK), jnp.int32),
            pltpu.VMEM((_NCH, _CHUNK, 2 * _D), jnp.float32),
            pltpu.SemaphoreType.DMA,
        ],
    )
    def gather_sc(x_hbm, emb_hbm, outf_hbm, outr_hbm, xf_v, xr_v, rows_v, sem):
        emb2_hbm = emb_hbm
        wid = lax.axis_index("s") * 2 + lax.axis_index("c")
        base = wid * _NCH
        pltpu.sync_copy(x_hbm.at[pl.ds(base, _NCH)], xf_v)
        for i in range(_NCH):
            for j in range(_CHUNK // 16):
                v = xf_v[i, pl.ds(j * 16, 16)]
                xr_v[i, pl.ds(j * 16, 16)] = jnp.where(v >= _N, v - _N, v + _N)
        for idx_v, out_hbm in ((xf_v, outf_hbm), (xr_v, outr_hbm)):
            copies = []
            for i in range(_NCH):
                c = pltpu.make_async_copy(
                    emb2_hbm.at[idx_v.at[i]], rows_v.at[i], sem)
                c.start()
                copies.append(c)
            for c in copies:
                c.wait()
            pltpu.sync_copy(rows_v, out_hbm.at[pl.ds(base, _NCH)])

    return gather_sc


_BB = 2048


def _mlp_body(xf_ref, xr_ref, t_ref, w0s_ref, w0t_ref, b0_ref,
              w1_ref, b1_ref, w2_ref, b2_ref, wo_ref, out_ref):
    bf = jnp.bfloat16

    def dotbf(a, w):
        return jnp.dot(a.astype(bf), w.astype(bf),
                       preferred_element_type=jnp.float32)

    col = lax.broadcasted_iota(jnp.int32, (1, 2 * _D), 1)
    keep = col < _D

    t = jnp.maximum(t_ref[...], 0.0).astype(bf).astype(jnp.float32)
    w0t = w0t_ref[...].astype(bf).astype(jnp.float32)
    t_row = t * w0t + b0_ref[...]

    def branch(x):
        a = jnp.maximum(jnp.where(keep, x, 0.0), 0.0)
        h = dotbf(a, w0s_ref[...]) + t_row
        h = jnp.maximum(h, 0.0)
        h = dotbf(h, w1_ref[...]) + b1_ref[...]
        h = jnp.maximum(h, 0.0)
        h = dotbf(h, w2_ref[...]) + b2_ref[...]
        return jnp.maximum(h, 0.0).astype(bf).astype(jnp.float32)

    diff = branch(xf_ref[...]) - branch(xr_ref[...])
    wo = wo_ref[...].astype(bf).astype(jnp.float32)
    out_ref[...] = jnp.sum(diff * wo, axis=1, keepdims=True)


def _mlp_tc(xf, xr, t2, w0s, w0t, b0r, w1, b1r, w2, b2r, wo_row):
    const = lambda i: (0, 0)
    return pl.pallas_call(
        _mlp_body,
        grid=(_B // _BB,),
        in_specs=[
            pl.BlockSpec((_BB, 2 * _D), lambda i: (i, 0)),
            pl.BlockSpec((_BB, 2 * _D), lambda i: (i, 0)),
            pl.BlockSpec((_BB, 1), lambda i: (i, 0)),
            pl.BlockSpec((2 * _D, _H), const),
            pl.BlockSpec((1, _H), const),
            pl.BlockSpec((1, _H), const),
            pl.BlockSpec((_H, _H), const),
            pl.BlockSpec((1, _H), const),
            pl.BlockSpec((_H, _H), const),
            pl.BlockSpec((1, _H), const),
            pl.BlockSpec((1, _H), const),
        ],
        out_specs=pl.BlockSpec((_BB, 1), lambda i: (i, 0)),
        out_shape=jax.ShapeDtypeStruct((_B, 1), jnp.float32),
    )(xf, xr, t2, w0s, w0t, b0r, w1, b1r, w2, b2r, wo_row)


def kernel(x, t, emb, W0, b0, W1, b1, W2, b2, Wo, bo):
    xi = x.astype(jnp.int32)
    x2 = xi.reshape(_B // _CHUNK, _CHUNK)
    embp = jnp.pad(emb, ((0, 0), (0, _D)))
    outf, outr = _make_gather_sc()(x2, embp)
    xf = outf.reshape(_B, 2 * _D)
    xr = outr.reshape(_B, 2 * _D)
    t2 = t[:, None]
    w0a = W0[:_D]
    w0s = jnp.concatenate([w0a, jnp.zeros_like(w0a)], axis=0)
    w0t = W0[_D:_D + 1]
    out = _mlp_tc(xf, xr, t2, w0s, w0t, b0[None, :],
                  W1, b1[None, :], W2, b2[None, :], Wo.T)
    return out

# --- scband reference (transcript-rebuilt; emitter-appended) ---
"""Pipeline reference for scband-neep-wtd-85873576116369 (READ-ONLY COPY).

The authoritative reference and input builder live on the scoring server;
editing this copy changes nothing except your own understanding.
"""

import jax, jax.numpy as jnp
import numpy as np

N = 500000
N_HIDDEN = 128
BATCH = 16384

def setup_inputs(seed: int = 0) -> dict:
    key = jax.random.key(seed)
    ks = jax.random.split(key, 12)
    x = jax.random.randint(ks[0], (BATCH,), 0, 2 * N)
    t = jax.random.uniform(ks[1], (BATCH,), dtype=jnp.float32)
    emb = jax.random.normal(ks[2], (2 * N, N_HIDDEN // 2), dtype=jnp.float32) * 0.02
    W0 = jax.random.normal(ks[3], (N_HIDDEN // 2 + 1, N_HIDDEN), dtype=jnp.float32) * 0.1
    b0 = jnp.zeros((N_HIDDEN,), dtype=jnp.float32)
    W1 = jax.random.normal(ks[4], (N_HIDDEN, N_HIDDEN), dtype=jnp.float32) * 0.1
    b1 = jnp.zeros((N_HIDDEN,), dtype=jnp.float32)
    W2 = jax.random.normal(ks[5], (N_HIDDEN, N_HIDDEN), dtype=jnp.float32) * 0.1
    b2 = jnp.zeros((N_HIDDEN,), dtype=jnp.float32)
    Wo = jax.random.normal(ks[6], (N_HIDDEN, 1), dtype=jnp.float32) * 0.1
    bo = jnp.zeros((1,), dtype=jnp.float32)
    return {"x": x, "t": t, "emb": emb, "W0": W0, "b0": b0, "W1": W1, "b1": b1, "W2": W2, "b2": b2, "Wo": Wo, "bo": bo}

def reference(x, t, emb, W0, b0, W1, b1, W2, b2, Wo, bo):
    def h(s):
        a = jax.nn.relu(s)
        a = jax.nn.relu(a @ W0 + b0)
        a = jax.nn.relu(a @ W1 + b1)
        a = jax.nn.relu(a @ W2 + b2)
        return a @ Wo + bo
    x_f = jnp.take(emb, x, axis=0)
    tt = t[:, None]
    s_f = jnp.concatenate([x_f, tt], axis=-1)
    x_r = (x + N) % (2 * N)
    x_r_f = jnp.take(emb, x_r, axis=0)
    s_r = jnp.concatenate([x_r_f, tt], axis=-1)
    return h(s_f) - h(s_r)

if __name__ == "__main__":
    import jax
    _d = setup_inputs()
    print(jax.jit(kernel)(*tuple(_d.values())))

</pallas_src>

<mosaic_0001>
#map = affine_map<(d0, d1) -> (0, 0)>
#map1 = affine_map<(d0, d1) -> (0, 0, 0)>
module attributes {stable_mosaic.version = 14 : i64} {
  func.func @gather_sc(%arg0: i32, %arg1: i32, %arg2: memref<128x128xi32, #tpu.memory_space<hbm>>, %arg3: memref<1000000x128xf32, #tpu.memory_space<hbm>>, %arg4: memref<128x128x128xf32, #tpu.memory_space<hbm>>, %arg5: memref<128x128x128xf32, #tpu.memory_space<hbm>>, %arg6: memref<4x128xi32, #tpu.memory_space<vmem>>, %arg7: memref<4x128xi32, #tpu.memory_space<vmem>>, %arg8: memref<4x128x128xf32, #tpu.memory_space<vmem>>, %arg9: memref<!tpu.dma_semaphore, #tpu.memory_space<semaphore_mem>>) attributes {dimension_semantics = [#tpu.dimension_semantics<core_parallel>, #tpu.dimension_semantics<subcore_parallel>], iteration_bounds = array<i64: 2, 16>, scalar_prefetch = 0 : i64, scratch_operands = 4 : i64, tpu.core_type = #tpu.core_type<sc_vector_subcore>, window_params = [{transform_indices = #map}, {transform_indices = #map}, {transform_indices = #map1}, {transform_indices = #map1}]} {
    %mul3A = arith.constant 2 : i32
    %mul3A_0 = arith.muli %arg1, %mul3A : i32
    %add3A = arith.addi %mul3A_0, %arg0 : i32
    %mul3A_1 = arith.constant 4 : i32
    %mul3A_2 = arith.muli %add3A, %mul3A_1 : i32
    "tpu.region"() ({
      %run_scoped3A = tpu.sem_alloc : memref<!tpu.dma_semaphore, #tpu.memory_space<semaphore_mem>>
      %dma_start3A_860 = arith.constant 0 : i32
      %dma_start3A_861 = tpu.memref_slice %arg2[%mul3A_2, %dma_start3A_860] : memref<128x128xi32, #tpu.memory_space<hbm>> -> memref<4x128xi32, #tpu.memory_space<hbm>>
      %dma_start3A_862 = arith.constant 0 : i32
      %dma_start3A_863 = tpu.memref_slice %arg2[%mul3A_2, %dma_start3A_862] : memref<128x128xi32, #tpu.memory_space<hbm>> -> memref<4x128xi32, #tpu.memory_space<hbm>>
      tpu.enqueue_dma source(%dma_start3A_863 : memref<4x128xi32, #tpu.memory_space<hbm>>) target(%arg6 : memref<4x128xi32, #tpu.memory_space<vmem>>) target_semaphore(%run_scoped3A : memref<!tpu.dma_semaphore, #tpu.memory_space<semaphore_mem>>)
      %dma_wait3A_864 = arith.constant 0 : i32
      %dma_wait3A_865 = tpu.memref_slice %arg2[%mul3A_2, %dma_wait3A_864] : memref<128x128xi32, #tpu.memory_space<hbm>> -> memref<4x128xi32, #tpu.memory_space<hbm>>
      %dma_wait3A_866 = arith.constant 0 : i32
      %dma_wait3A_867 = tpu.memref_slice %arg2[%mul3A_2, %dma_wait3A_866] : memref<128x128xi32, #tpu.memory_space<hbm>> -> memref<4x128xi32, #tpu.memory_space<hbm>>
      tpu.wait_dma2 semaphore(%run_scoped3A : memref<!tpu.dma_semaphore, #tpu.memory_space<semaphore_mem>>) src(%dma_wait3A_867 : memref<4x128xi32, #tpu.memory_space<hbm>>) dst(%arg6 : memref<4x128xi32, #tpu.memory_space<vmem>>)
      tpu.yield
    }) : () -> ()
    %get3A = arith.constant 0 : i32
    %get3A_3 = arith.index_cast %get3A : i32 to index
    %get3A_4 = arith.constant 0 : index
    %get3A_5 = tpu.vector_load %arg6[%get3A_3, %get3A_4] {strides = array<i32>} : memref<4x128xi32, #tpu.memory_space<vmem>>, vector<1x16xi32>,
    %get3A_6 = vector.shape_cast %get3A_5 : vector<1x16xi32> to vector<16xi32>
    %ge3A = arith.constant 500000 : i32
    %ge3A_7 = vector.broadcast %ge3A : i32 to vector<16xi32>
    %ge3A_8 = arith.cmpi sge, %get3A_6, %ge3A_7 : vector<16xi32>
    %sub3A = arith.constant 500000 : i32
    %sub3A_9 = vector.broadcast %sub3A : i32 to vector<16xi32>
    %sub3A_10 = arith.subi %get3A_6, %sub3A_9 : vector<16xi32>
    %add3A_11 = arith.constant 500000 : i32
    %add3A_12 = vector.broadcast %add3A_11 : i32 to vector<16xi32>
    %add3A_13 = arith.addi %get3A_6, %add3A_12 : vector<16xi32>
    %select_n3A = arith.select %ge3A_8, %sub3A_10, %add3A_13 : vector<16xi1>, vector<16xi32>
    %swap3A = arith.constant 0 : i32
    %swap3A_14 = arith.index_cast %swap3A : i32 to index
    %swap3A_15 = arith.constant 0 : index
    %swap3A_16 = tpu.vector_load %arg7[%swap3A_14, %swap3A_15] {strides = array<i32>} : memref<4x128xi32, #tpu.memory_space<vmem>>, vector<1x16xi32>,
    %swap3A_17 = vector.shape_cast %swap3A_16 : vector<1x16xi32> to vector<16xi32>
    %swap3A_18 = vector.shape_cast %select_n3A : vector<16xi32> to vector<1x16xi32>
    tpu.vector_store %arg7[%swap3A_14, %swap3A_15], %swap3A_18 {strides = array<i32>} : memref<4x128xi32, #tpu.memory_space<vmem>>, vector<1x16xi32>,
    %get3A_19 = arith.constant 0 : i32
    %get3A_20 = arith.index_cast %get3A_19 : i32 to index
    %get3A_21 = arith.constant 16 : index
    %get3A_22 = tpu.vector_load %arg6[%get3A_20, %get3A_21] {strides = array<i32>} : memref<4x128xi32, #tpu.memory_space<vmem>>, vector<1x16xi32>,
    %get3A_23 = vector.shape_cast %get3A_22 : vector<1x16xi32> to vector<16xi32>
    %ge3A_24 = arith.constant 500000 : i32
    %ge3A_25 = vector.broadcast %ge3A_24 : i32 to vector<16xi32>
    %ge3A_26 = arith.cmpi sge, %get3A_23, %ge3A_25 : vector<16xi32>
    %sub3A_27 = arith.constant 500000 : i32
    %sub3A_28 = vector.broadcast %sub3A_27 : i32 to vector<16xi32>
    %sub3A_29 = arith.subi %get3A_23, %sub3A_28 : vector<16xi32>
    %add3A_30 = arith.constant 500000 : i32
    %add3A_31 = vector.broadcast %add3A_30 : i32 to vector<16xi32>
    %add3A_32 = arith.addi %get3A_23, %add3A_31 : vector<16xi32>
    %select_n3A_33 = arith.select %ge3A_26, %sub3A_29, %add3A_32 : vector<16xi1>, vector<16xi32>
    %swap3A_34 = arith.constant 0 : i32
    %swap3A_35 = arith.index_cast %swap3A_34 : i32 to index
    %swap3A_36 = arith.constant 16 : index
    %swap3A_37 = tpu.vector_load %arg7[%swap3A_35, %swap3A_36] {strides = array<i32>} : memref<4x128xi32, #tpu.memory_space<vmem>>, vector<1x16xi32>,
    %swap3A_38 = vector.shape_cast %swap3A_37 : vector<1x16xi32> to vector<16xi32>
    %swap3A_39 = vector.shape_cast %select_n3A_33 : vector<16xi32> to vector<1x16xi32>
    tpu.vector_store %arg7[%swap3A_35, %swap3A_36], %swap3A_39 {strides = array<i32>} : memref<4x128xi32, #tpu.memory_space<vmem>>, vector<1x16xi32>,
    %get3A_40 = arith.constant 0 : i32
    %get3A_41 = arith.index_cast %get3A_40 : i32 to index
    %get3A_42 = arith.constant 32 : index
    %get3A_43 = tpu.vector_load %arg6[%get3A_41, %get3A_42] {strides = array<i32>} : memref<4x128xi32, #tpu.memory_space<vmem>>, vector<1x16xi32>,
    %get3A_44 = vector.shape_cast %get3A_43 : vector<1x16xi32> to vector<16xi32>
    %ge3A_45 = arith.constant 500000 : i32
    %ge3A_46 = vector.broadcast %ge3A_45 : i32 to vector<16xi32>
    %ge3A_47 = arith.cmpi sge, %get3A_44, %ge3A_46 : vector<16xi32>
    %sub3A_48 = arith.constant 500000 : i32
    %sub3A_49 = vector.broadcast %sub3A_48 : i32 to vector<16xi32>
    %sub3A_50 = arith.subi %get3A_44, %sub3A_49 : vector<16xi32>
    %add3A_51 = arith.constant 500000 : i32
    %add3A_52 = vector.broadcast %add3A_51 : i32 to vector<16xi32>
    %add3A_53 = arith.addi %get3A_44, %add3A_52 : vector<16xi32>
    %select_n3A_54 = arith.select %ge3A_47, %sub3A_50, %add3A_53 : vector<16xi1>, vector<16xi32>
    %swap3A_55 = arith.constant 0 : i32
    %swap3A_56 = arith.index_cast %swap3A_55 : i32 to index
    %swap3A_57 = arith.constant 32 : index
    %swap3A_58 = tpu.vector_load %arg7[%swap3A_56, %swap3A_57] {strides = array<i32>} : memref<4x128xi32, #tpu.memory_space<vmem>>, vector<1x16xi32>,
    %swap3A_59 = vector.shape_cast %swap3A_58 : vector<1x16xi32> to vector<16xi32>
    %swap3A_60 = vector.shape_cast %select_n3A_54 : vector<16xi32> to vector<1x16xi32>
    tpu.vector_store %arg7[%swap3A_56, %swap3A_57], %swap3A_60 {strides = array<i32>} : memref<4x128xi32, #tpu.memory_space<vmem>>, vector<1x16xi32>,
    %get3A_61 = arith.constant 0 : i32
    %get3A_62 = arith.index_cast %get3A_61 : i32 to index
    %get3A_63 = arith.constant 48 : index
    %get3A_64 = tpu.vector_load %arg6[%get3A_62, %get3A_63] {strides = array<i32>} : memref<4x128xi32, #tpu.memory_space<vmem>>, vector<1x16xi32>,
    %get3A_65 = vector.shape_cast %get3A_64 : vector<1x16xi32> to vector<16xi32>
    %ge3A_66 = arith.constant 500000 : i32
    %ge3A_67 = vector.broadcast %ge3A_66 : i32 to vector<16xi32>
    %ge3A_68 = arith.cmpi sge, %get3A_65, %ge3A_67 : vector<16xi32>
    %sub3A_69 = arith.constant 500000 : i32
    %sub3A_70 = vector.broadcast %sub3A_69 : i32 to vector<16xi32>
    %sub3A_71 = arith.subi %get3A_65, %sub3A_70 : vector<16xi32>
    %add3A_72 = arith.constant 500000 : i32
    %add3A_73 = vector.broadcast %add3A_72 : i32 to vector<16xi32>
    %add3A_74 = arith.addi %get3A_65, %add3A_73 : vector<16xi32>
    %select_n3A_75 = arith.select %ge3A_68, %sub3A_71, %add3A_74 : vector<16xi1>, vector<16xi32>
    %swap3A_76 = arith.constant 0 : i32
    %swap3A_77 = arith.index_cast %swap3A_76 : i32 to index
    %swap3A_78 = arith.constant 48 : index
    %swap3A_79 = tpu.vector_load %arg7[%swap3A_77, %swap3A_78] {strides = array<i32>} : memref<4x128xi32, #tpu.memory_space<vmem>>, vector<1x16xi32>,
    %swap3A_80 = vector.shape_cast %swap3A_79 : vector<1x16xi32> to vector<16xi32>
    %swap3A_81 = vector.shape_cast %select_n3A_75 : vector<16xi32> to vector<1x16xi32>
    tpu.vector_store %arg7[%swap3A_77, %swap3A_78], %swap3A_81 {strides = array<i32>} : memref<4x128xi32, #tpu.memory_space<vmem>>, vector<1x16xi32>,
    %get3A_82 = arith.constant 0 : i32
    %get3A_83 = arith.index_cast %get3A_82 : i32 to index
    %get3A_84 = arith.constant 64 : index
    %get3A_85 = tpu.vector_load %arg6[%get3A_83, %get3A_84] {strides = array<i32>} : memref<4x128xi32, #tpu.memory_space<vmem>>, vector<1x16xi32>,
    %get3A_86 = vector.shape_cast %get3A_85 : vector<1x16xi32> to vector<16xi32>
    %ge3A_87 = arith.constant 500000 : i32
    %ge3A_88 = vector.broadcast %ge3A_87 : i32 to vector<16xi32>
    %ge3A_89 = arith.cmpi sge, %get3A_86, %ge3A_88 : vector<16xi32>
    %sub3A_90 = arith.constant 500000 : i32
    %sub3A_91 = vector.broadcast %sub3A_90 : i32 to vector<16xi32>
    %sub3A_92 = arith.subi %get3A_86, %sub3A_91 : vector<16xi32>
    %add3A_93 = arith.constant 500000 : i32
    %add3A_94 = vector.broadcast %add3A_93 : i32 to vector<16xi32>
    %add3A_95 = arith.addi %get3A_86, %add3A_94 : vector<16xi32>
    %select_n3A_96 = arith.select %ge3A_89, %sub3A_92, %add3A_95 : vector<16xi1>, vector<16xi32>
    %swap3A_97 = arith.constant 0 : i32
    %swap3A_98 = arith.index_cast %swap3A_97 : i32 to index
    %swap3A_99 = arith.constant 64 : index
    %swap3A_100 = tpu.vector_load %arg7[%swap3A_98, %swap3A_99] {strides = array<i32>} : memref<4x128xi32, #tpu.memory_space<vmem>>, vector<1x16xi32>,
    %swap3A_101 = vector.shape_cast %swap3A_100 : vector<1x16xi32> to vector<16xi32>
    %swap3A_102 = vector.shape_cast %select_n3A_96 : vector<16xi32> to vector<1x16xi32>
    tpu.vector_store %arg7[%swap3A_98, %swap3A_99], %swap3A_102 {strides = array<i32>} : memref<4x128xi32, #tpu.memory_space<vmem>>, vector<1x16xi32>,
    %get3A_103 = arith.constant 0 : i32
    %get3A_104 = arith.index_cast %get3A_103 : i32 to index
    %get3A_105 = arith.constant 80 : index
    %get3A_106 = tpu.vector_load %arg6[%get3A_104, %get3A_105] {strides = array<i32>} : memref<4x128xi32, #tpu.memory_space<vmem>>, vector<1x16xi32>,
    %get3A_107 = vector.shape_cast %get3A_106 : vector<1x16xi32> to vector<16xi32>
    %ge3A_108 = arith.constant 500000 : i32
    %ge3A_109 = vector.broadcast %ge3A_108 : i32 to vector<16xi32>
    %ge3A_110 = arith.cmpi sge, %get3A_107, %ge3A_109 : vector<16xi32>
    %sub3A_111 = arith.constant 500000 : i32
    %sub3A_112 = vector.broadcast %sub3A_111 : i32 to vector<16xi32>
    %sub3A_113 = arith.subi %get3A_107, %sub3A_112 : vector<16xi32>
    %add3A_114 = arith.constant 500000 : i32
    %add3A_115 = vector.broadcast %add3A_114 : i32 to vector<16xi32>
    %add3A_116 = arith.addi %get3A_107, %add3A_115 : vector<16xi32>
    %select_n3A_117 = arith.select %ge3A_110, %sub3A_113, %add3A_116 : vector<16xi1>, vector<16xi32>
    %swap3A_118 = arith.constant 0 : i32
    %swap3A_119 = arith.index_cast %swap3A_118 : i32 to index
    %swap3A_120 = arith.constant 80 : index
    %swap3A_121 = tpu.vector_load %arg7[%swap3A_119, %swap3A_120] {strides = array<i32>} : memref<4x128xi32, #tpu.memory_space<vmem>>, vector<1x16xi32>,
    %swap3A_122 = vector.shape_cast %swap3A_121 : vector<1x16xi32> to vector<16xi32>
    %swap3A_123 = vector.shape_cast %select_n3A_117 : vector<16xi32> to vector<1x16xi32>
    tpu.vector_store %arg7[%swap3A_119, %swap3A_120], %swap3A_123 {strides = array<i32>} : memref<4x128xi32, #tpu.memory_space<vmem>>, vector<1x16xi32>,
    %get3A_124 = arith.constant 0 : i32
    %get3A_125 = arith.index_cast %get3A_124 : i32 to index
    %get3A_126 = arith.constant 96 : index
    %get3A_127 = tpu.vector_load %arg6[%get3A_125, %get3A_126] {strides = array<i32>} : memref<4x128xi32, #tpu.memory_space<vmem>>, vector<1x16xi32>,
    %get3A_128 = vector.shape_cast %get3A_127 : vector<1x16xi32> to vector<16xi32>
    %ge3A_129 = arith.constant 500000 : i32
    %ge3A_130 = vector.broadcast %ge3A_129 : i32 to vector<16xi32>
    %ge3A_131 = arith.cmpi sge, %get3A_128, %ge3A_130 : vector<16xi32>
    %sub3A_132 = arith.constant 500000 : i32
    %sub3A_133 = vector.broadcast %sub3A_132 : i32 to vector<16xi32>
    %sub3A_134 = arith.subi %get3A_128, %sub3A_133 : vector<16xi32>
    %add3A_135 = arith.constant 500000 : i32
    %add3A_136 = vector.broadcast %add3A_135 : i32 to vector<16xi32>
    %add3A_137 = arith.addi %get3A_128, %add3A_136 : vector<16xi32>
    %select_n3A_138 = arith.select %ge3A_131, %sub3A_134, %add3A_137 : vector<16xi1>, vector<16xi32>
    %swap3A_139 = arith.constant 0 : i32
    %swap3A_140 = arith.index_cast %swap3A_139 : i32 to index
    %swap3A_141 = arith.constant 96 : index
    %swap3A_142 = tpu.vector_load %arg7[%swap3A_140, %swap3A_141] {strides = array<i32>} : memref<4x128xi32, #tpu.memory_space<vmem>>, vector<1x16xi32>,
    %swap3A_143 = vector.shape_cast %swap3A_142 : vector<1x16xi32> to vector<16xi32>
    %swap3A_144 = vector.shape_cast %select_n3A_138 : vector<16xi32> to vector<1x16xi32>
    tpu.vector_store %arg7[%swap3A_140, %swap3A_141], %swap3A_144 {strides = array<i32>} : memref<4x128xi32, #tpu.memory_space<vmem>>, vector<1x16xi32>,
    %get3A_145 = arith.constant 0 : i32
    %get3A_146 = arith.index_cast %get3A_145 : i32 to index
    %get3A_147 = arith.constant 112 : index
    %get3A_148 = tpu.vector_load %arg6[%get3A_146, %get3A_147] {strides = array<i32>} : memref<4x128xi32, #tpu.memory_space<vmem>>, vector<1x16xi32>,
    %get3A_149 = vector.shape_cast %get3A_148 : vector<1x16xi32> to vector<16xi32>
    %ge3A_150 = arith.constant 500000 : i32
    %ge3A_151 = vector.broadcast %ge3A_150 : i32 to vector<16xi32>
    %ge3A_152 = arith.cmpi sge, %get3A_149, %ge3A_151 : vector<16xi32>
    %sub3A_153 = arith.constant 500000 : i32
    %sub3A_154 = vector.broadcast %sub3A_153 : i32 to vector<16xi32>
    %sub3A_155 = arith.subi %get3A_149, %sub3A_154 : vector<16xi32>
    %add3A_156 = arith.constant 500000 : i32
    %add3A_157 = vector.broadcast %add3A_156 : i32 to vector<16xi32>
    %add3A_158 = arith.addi %get3A_149, %add3A_157 : vector<16xi32>
    %select_n3A_159 = arith.select %ge3A_152, %sub3A_155, %add3A_158 : vector<16xi1>, vector<16xi32>
    %swap3A_160 = arith.constant 0 : i32
    %swap3A_161 = arith.index_cast %swap3A_160 : i32 to index
    %swap3A_162 = arith.constant 112 : index
    %swap3A_163 = tpu.vector_load %arg7[%swap3A_161, %swap3A_162] {strides = array<i32>} : memref<4x128xi32, #tpu.memory_space<vmem>>, vector<1x16xi32>,
    %swap3A_164 = vector.shape_cast %swap3A_163 : vector<1x16xi32> to vector<16xi32>
    %swap3A_165 = vector.shape_cast %select_n3A_159 : vector<16xi32> to vector<1x16xi32>
    tpu.vector_store %arg7[%swap3A_161, %swap3A_162], %swap3A_165 {strides = array<i32>} : memref<4x128xi32, #tpu.memory_space<vmem>>, vector<1x16xi32>,
    %get3A_166 = arith.constant 1 : i32
    %get3A_167 = arith.index_cast %get3A_166 : i32 to index
    %get3A_168 = arith.constant 0 : index
    %get3A_169 = tpu.vector_load %arg6[%get3A_167, %get3A_168] {strides = array<i32>} : memref<4x128xi32, #tpu.memory_space<vmem>>, vector<1x16xi32>,
    %get3A_170 = vector.shape_cast %get3A_169 : vector<1x16xi32> to vector<16xi32>
    %ge3A_171 = arith.constant 500000 : i32
    %ge3A_172 = vector.broadcast %ge3A_171 : i32 to vector<16xi32>
    %ge3A_173 = arith.cmpi sge, %get3A_170, %ge3A_172 : vector<16xi32>
    %sub3A_174 = arith.constant 500000 : i32
    %sub3A_175 = vector.broadcast %sub3A_174 : i32 to vector<16xi32>
    %sub3A_176 = arith.subi %get3A_170, %sub3A_175 : vector<16xi32>
    %add3A_177 = arith.constant 500000 : i32
    %add3A_178 = vector.broadcast %add3A_177 : i32 to vector<16xi32>
    %add3A_179 = arith.addi %get3A_170, %add3A_178 : vector<16xi32>
    %select_n3A_180 = arith.select %ge3A_173, %sub3A_176, %add3A_179 : vector<16xi1>, vector<16xi32>
    %swap3A_181 = arith.constant 1 : i32
    %swap3A_182 = arith.index_cast %swap3A_181 : i32 to index
    %swap3A_183 = arith.constant 0 : index
    %swap3A_184 = tpu.vector_load %arg7[%swap3A_182, %swap3A_183] {strides = array<i32>} : memref<4x128xi32, #tpu.memory_space<vmem>>, vector<1x16xi32>,
    %swap3A_185 = vector.shape_cast %swap3A_184 : vector<1x16xi32> to vector<16xi32>
    %swap3A_186 = vector.shape_cast %select_n3A_180 : vector<16xi32> to vector<1x16xi32>
    tpu.vector_store %arg7[%swap3A_182, %swap3A_183], %swap3A_186 {strides = array<i32>} : memref<4x128xi32, #tpu.memory_space<vmem>>, vector<1x16xi32>,
    %get3A_187 = arith.constant 1 : i32
    %get3A_188 = arith.index_cast %get3A_187 : i32 to index
    %get3A_189 = arith.constant 16 : index
    %get3A_190 = tpu.vector_load %arg6[%get3A_188, %get3A_189] {strides = array<i32>} : memref<4x128xi32, #tpu.memory_space<vmem>>, vector<1x16xi32>,
    %get3A_191 = vector.shape_cast %get3A_190 : vector<1x16xi32> to vector<16xi32>
    %ge3A_192 = arith.constant 500000 : i32
    %ge3A_193 = vector.broadcast %ge3A_192 : i32 to vector<16xi32>
    %ge3A_194 = arith.cmpi sge, %get3A_191, %ge3A_193 : vector<16xi32>
    %sub3A_195 = arith.constant 500000 : i32
    %sub3A_196 = vector.broadcast %sub3A_195 : i32 to vector<16xi32>
    %sub3A_197 = arith.subi %get3A_191, %sub3A_196 : vector<16xi32>
    %add3A_198 = arith.constant 500000 : i32
    %add3A_199 = vector.broadcast %add3A_198 : i32 to vector<16xi32>
    %add3A_200 = arith.addi %get3A_191, %add3A_199 : vector<16xi32>
    %select_n3A_201 = arith.select %ge3A_194, %sub3A_197, %add3A_200 : vector<16xi1>, vector<16xi32>
    %swap3A_202 = arith.constant 1 : i32
    %swap3A_203 = arith.index_cast %swap3A_202 : i32 to index
    %swap3A_204 = arith.constant 16 : index
    %swap3A_205 = tpu.vector_load %arg7[%swap3A_203, %swap3A_204] {strides = array<i32>} : memref<4x128xi32, #tpu.memory_space<vmem>>, vector<1x16xi32>,
    %swap3A_206 = vector.shape_cast %swap3A_205 : vector<1x16xi32> to vector<16xi32>
    %swap3A_207 = vector.shape_cast %select_n3A_201 : vector<16xi32> to vector<1x16xi32>
    tpu.vector_store %arg7[%swap3A_203, %swap3A_204], %swap3A_207 {strides = array<i32>} : memref<4x128xi32, #tpu.memory_space<vmem>>, vector<1x16xi32>,
    %get3A_208 = arith.constant 1 : i32
    %get3A_209 = arith.index_cast %get3A_208 : i32 to index
    %get3A_210 = arith.constant 32 : index
    %get3A_211 = tpu.vector_load %arg6[%get3A_209, %get3A_210] {strides = array<i32>} : memref<4x128xi32, #tpu.memory_space<vmem>>, vector<1x16xi32>,
    %get3A_212 = vector.shape_cast %get3A_211 : vector<1x16xi32> to vector<16xi32>
    %ge3A_213 = arith.constant 500000 : i32
    %ge3A_214 = vector.broadcast %ge3A_213 : i32 to vector<16xi32>
    %ge3A_215 = arith.cmpi sge, %get3A_212, %ge3A_214 : vector<16xi32>
    %sub3A_216 = arith.constant 500000 : i32
    %sub3A_217 = vector.broadcast %sub3A_216 : i32 to vector<16xi32>
    %sub3A_218 = arith.subi %get3A_212, %sub3A_217 : vector<16xi32>
    %add3A_219 = arith.constant 500000 : i32
    %add3A_220 = vector.broadcast %add3A_219 : i32 to vector<16xi32>
    %add3A_221 = arith.addi %get3A_212, %add3A_220 : vector<16xi32>
    %select_n3A_222 = arith.select %ge3A_215, %sub3A_218, %add3A_221 : vector<16xi1>, vector<16xi32>
    %swap3A_223 = arith.constant 1 : i32
    %swap3A_224 = arith.index_cast %swap3A_223 : i32 to index
    %swap3A_225 = arith.constant 32 : index
    %swap3A_226 = tpu.vector_load %arg7[%swap3A_224, %swap3A_225] {strides = array<i32>} : memref<4x128xi32, #tpu.memory_space<vmem>>, vector<1x16xi32>,
    %swap3A_227 = vector.shape_cast %swap3A_226 : vector<1x16xi32> to vector<16xi32>
    %swap3A_228 = vector.shape_cast %select_n3A_222 : vector<16xi32> to vector<1x16xi32>
    tpu.vector_store %arg7[%swap3A_224, %swap3A_225], %swap3A_228 {strides = array<i32>} : memref<4x128xi32, #tpu.memory_space<vmem>>, vector<1x16xi32>,
    %get3A_229 = arith.constant 1 : i32
    %get3A_230 = arith.index_cast %get3A_229 : i32 to index
    %get3A_231 = arith.constant 48 : index
    %get3A_232 = tpu.vector_load %arg6[%get3A_230, %get3A_231] {strides = array<i32>} : memref<4x128xi32, #tpu.memory_space<vmem>>, vector<1x16xi32>,
    %get3A_233 = vector.shape_cast %get3A_232 : vector<1x16xi32> to vector<16xi32>
    %ge3A_234 = arith.constant 500000 : i32
    %ge3A_235 = vector.broadcast %ge3A_234 : i32 to vector<16xi32>
    %ge3A_236 = arith.cmpi sge, %get3A_233, %ge3A_235 : vector<16xi32>
    %sub3A_237 = arith.constant 500000 : i32
    %sub3A_238 = vector.broadcast %sub3A_237 : i32 to vector<16xi32>
    %sub3A_239 = arith.subi %get3A_233, %sub3A_238 : vector<16xi32>
    %add3A_240 = arith.constant 500000 : i32
    %add3A_241 = vector.broadcast %add3A_240 : i32 to vector<16xi32>
    %add3A_242 = arith.addi %get3A_233, %add3A_241 : vector<16xi32>
    %select_n3A_243 = arith.select %ge3A_236, %sub3A_239, %add3A_242 : vector<16xi1>, vector<16xi32>
    %swap3A_244 = arith.constant 1 : i32
    %swap3A_245 = arith.index_cast %swap3A_244 : i32 to index
    %swap3A_246 = arith.constant 48 : index
    %swap3A_247 = tpu.vector_load %arg7[%swap3A_245, %swap3A_246] {strides = array<i32>} : memref<4x128xi32, #tpu.memory_space<vmem>>, vector<1x16xi32>,
    %swap3A_248 = vector.shape_cast %swap3A_247 : vector<1x16xi32> to vector<16xi32>
    %swap3A_249 = vector.shape_cast %select_n3A_243 : vector<16xi32> to vector<1x16xi32>
    tpu.vector_store %arg7[%swap3A_245, %swap3A_246], %swap3A_249 {strides = array<i32>} : memref<4x128xi32, #tpu.memory_space<vmem>>, vector<1x16xi32>,
    %get3A_250 = arith.constant 1 : i32
    %get3A_251 = arith.index_cast %get3A_250 : i32 to index
    %get3A_252 = arith.constant 64 : index
    %get3A_253 = tpu.vector_load %arg6[%get3A_251, %get3A_252] {strides = array<i32>} : memref<4x128xi32, #tpu.memory_space<vmem>>, vector<1x16xi32>,
    %get3A_254 = vector.shape_cast %get3A_253 : vector<1x16xi32> to vector<16xi32>
    %ge3A_255 = arith.constant 500000 : i32
    %ge3A_256 = vector.broadcast %ge3A_255 : i32 to vector<16xi32>
    %ge3A_257 = arith.cmpi sge, %get3A_254, %ge3A_256 : vector<16xi32>
    %sub3A_258 = arith.constant 500000 : i32
    %sub3A_259 = vector.broadcast %sub3A_258 : i32 to vector<16xi32>
    %sub3A_260 = arith.subi %get3A_254, %sub3A_259 : vector<16xi32>
    %add3A_261 = arith.constant 500000 : i32
    %add3A_262 = vector.broadcast %add3A_261 : i32 to vector<16xi32>
    %add3A_263 = arith.addi %get3A_254, %add3A_262 : vector<16xi32>
    %select_n3A_264 = arith.select %ge3A_257, %sub3A_260, %add3A_263 : vector<16xi1>, vector<16xi32>
    %swap3A_265 = arith.constant 1 : i32
    %swap3A_266 = arith.index_cast %swap3A_265 : i32 to index
    %swap3A_267 = arith.constant 64 : index
    %swap3A_268 = tpu.vector_load %arg7[%swap3A_266, %swap3A_267] {strides = array<i32>} : memref<4x128xi32, #tpu.memory_space<vmem>>, vector<1x16xi32>,
    %swap3A_269 = vector.shape_cast %swap3A_268 : vector<1x16xi32> to vector<16xi32>
    %swap3A_270 = vector.shape_cast %select_n3A_264 : vector<16xi32> to vector<1x16xi32>
    tpu.vector_store %arg7[%swap3A_266, %swap3A_267], %swap3A_270 {strides = array<i32>} : memref<4x128xi32, #tpu.memory_space<vmem>>, vector<1x16xi32>,
    %get3A_271 = arith.constant 1 : i32
    %get3A_272 = arith.index_cast %get3A_271 : i32 to index
    %get3A_273 = arith.constant 80 : index
    %get3A_274 = tpu.vector_load %arg6[%get3A_272, %get3A_273] {strides = array<i32>} : memref<4x128xi32, #tpu.memory_space<vmem>>, vector<1x16xi32>,
    %get3A_275 = vector.shape_cast %get3A_274 : vector<1x16xi32> to vector<16xi32>
    %ge3A_276 = arith.constant 500000 : i32
    %ge3A_277 = vector.broadcast %ge3A_276 : i32 to vector<16xi32>
    %ge3A_278 = arith.cmpi sge, %get3A_275, %ge3A_277 : vector<16xi32>
    %sub3A_279 = arith.constant 500000 : i32
    %sub3A_280 = vector.broadcast %sub3A_279 : i32 to vector<16xi32>
    %sub3A_281 = arith.subi %get3A_275, %sub3A_280 : vector<16xi32>
    %add3A_282 = arith.constant 500000 : i32
    %add3A_283 = vector.broadcast %add3A_282 : i32 to vector<16xi32>
    %add3A_284 = arith.addi %get3A_275, %add3A_283 : vector<16xi32>
    %select_n3A_285 = arith.select %ge3A_278, %sub3A_281, %add3A_284 : vector<16xi1>, vector<16xi32>
    %swap3A_286 = arith.constant 1 : i32
    %swap3A_287 = arith.index_cast %swap3A_286 : i32 to index
    %swap3A_288 = arith.constant 80 : index
    %swap3A_289 = tpu.vector_load %arg7[%swap3A_287, %swap3A_288] {strides = array<i32>} : memref<4x128xi32, #tpu.memory_space<vmem>>, vector<1x16xi32>,
    %swap3A_290 = vector.shape_cast %swap3A_289 : vector<1x16xi32> to vector<16xi32>
    %swap3A_291 = vector.shape_cast %select_n3A_285 : vector<16xi32> to vector<1x16xi32>
    tpu.vector_store %arg7[%swap3A_287, %swap3A_288], %swap3A_291 {strides = array<i32>} : memref<4x128xi32, #tpu.memory_space<vmem>>, vector<1x16xi32>,
    %get3A_292 = arith.constant 1 : i32
    %get3A_293 = arith.index_cast %get3A_292 : i32 to index
    %get3A_294 = arith.constant 96 : index
    %get3A_295 = tpu.vector_load %arg6[%get3A_293, %get3A_294] {strides = array<i32>} : memref<4x128xi32, #tpu.memory_space<vmem>>, vector<1x16xi32>,
    %get3A_296 = vector.shape_cast %get3A_295 : vector<1x16xi32> to vector<16xi32>
    %ge3A_297 = arith.constant 500000 : i32
    %ge3A_298 = vector.broadcast %ge3A_297 : i32 to vector<16xi32>
    %ge3A_299 = arith.cmpi sge, %get3A_296, %ge3A_298 : vector<16xi32>
    %sub3A_300 = arith.constant 500000 : i32
    %sub3A_301 = vector.broadcast %sub3A_300 : i32 to vector<16xi32>
    %sub3A_302 = arith.subi %get3A_296, %sub3A_301 : vector<16xi32>
    %add3A_303 = arith.constant 500000 : i32
    %add3A_304 = vector.broadcast %add3A_303 : i32 to vector<16xi32>
    %add3A_305 = arith.addi %get3A_296, %add3A_304 : vector<16xi32>
    %select_n3A_306 = arith.select %ge3A_299, %sub3A_302, %add3A_305 : vector<16xi1>, vector<16xi32>
    %swap3A_307 = arith.constant 1 : i32
    %swap3A_308 = arith.index_cast %swap3A_307 : i32 to index
    %swap3A_309 = arith.constant 96 : index
    %swap3A_310 = tpu.vector_load %arg7[%swap3A_308, %swap3A_309] {strides = array<i32>} : memref<4x128xi32, #tpu.memory_space<vmem>>, vector<1x16xi32>,
    %swap3A_311 = vector.shape_cast %swap3A_310 : vector<1x16xi32> to vector<16xi32>
    %swap3A_312 = vector.shape_cast %select_n3A_306 : vector<16xi32> to vector<1x16xi32>
    tpu.vector_store %arg7[%swap3A_308, %swap3A_309], %swap3A_312 {strides = array<i32>} : memref<4x128xi32, #tpu.memory_space<vmem>>, vector<1x16xi32>,
    %get3A_313 = arith.constant 1 : i32
    %get3A_314 = arith.index_cast %get3A_313 : i32 to index
    %get3A_315 = arith.constant 112 : index
    %get3A_316 = tpu.vector_load %arg6[%get3A_314, %get3A_315] {strides = array<i32>} : memref<4x128xi32, #tpu.memory_space<vmem>>, vector<1x16xi32>,
    %get3A_317 = vector.shape_cast %get3A_316 : vector<1x16xi32> to vector<16xi32>
    %ge3A_318 = arith.constant 500000 : i32
    %ge3A_319 = vector.broadcast %ge3A_318 : i32 to vector<16xi32>
    %ge3A_320 = arith.cmpi sge, %get3A_317, %ge3A_319 : vector<16xi32>
    %sub3A_321 = arith.constant 500000 : i32
    %sub3A_322 = vector.broadcast %sub3A_321 : i32 to vector<16xi32>
    %sub3A_323 = arith.subi %get3A_317, %sub3A_322 : vector<16xi32>
    %add3A_324 = arith.constant 500000 : i32
    %add3A_325 = vector.broadcast %add3A_324 : i32 to vector<16xi32>
    %add3A_326 = arith.addi %get3A_317, %add3A_325 : vector<16xi32>
    %select_n3A_327 = arith.select %ge3A_320, %sub3A_323, %add3A_326 : vector<16xi1>, vector<16xi32>
    %swap3A_328 = arith.constant 1 : i32
    %swap3A_329 = arith.index_cast %swap3A_328 : i32 to index
    %swap3A_330 = arith.constant 112 : index
    %swap3A_331 = tpu.vector_load %arg7[%swap3A_329, %swap3A_330] {strides = array<i32>} : memref<4x128xi32, #tpu.memory_space<vmem>>, vector<1x16xi32>,
    %swap3A_332 = vector.shape_cast %swap3A_331 : vector<1x16xi32> to vector<16xi32>
    %swap3A_333 = vector.shape_cast %select_n3A_327 : vector<16xi32> to vector<1x16xi32>
    tpu.vector_store %arg7[%swap3A_329, %swap3A_330], %swap3A_333 {strides = array<i32>} : memref<4x128xi32, #tpu.memory_space<vmem>>, vector<1x16xi32>,
    %get3A_334 = arith.constant 2 : i32
    %get3A_335 = arith.index_cast %get3A_334 : i32 to index
    %get3A_336 = arith.constant 0 : index
    %get3A_337 = tpu.vector_load %arg6[%get3A_335, %get3A_336] {strides = array<i32>} : memref<4x128xi32, #tpu.memory_space<vmem>>, vector<1x16xi32>,
    %get3A_338 = vector.shape_cast %get3A_337 : vector<1x16xi32> to vector<16xi32>
    %ge3A_339 = arith.constant 500000 : i32
    %ge3A_340 = vector.broadcast %ge3A_339 : i32 to vector<16xi32>
    %ge3A_341 = arith.cmpi sge, %get3A_338, %ge3A_340 : vector<16xi32>
    %sub3A_342 = arith.constant 500000 : i32
    %sub3A_343 = vector.broadcast %sub3A_342 : i32 to vector<16xi32>
    %sub3A_344 = arith.subi %get3A_338, %sub3A_343 : vector<16xi32>
    %add3A_345 = arith.constant 500000 : i32
    %add3A_346 = vector.broadcast %add3A_345 : i32 to vector<16xi32>
    %add3A_347 = arith.addi %get3A_338, %add3A_346 : vector<16xi32>
    %select_n3A_348 = arith.select %ge3A_341, %sub3A_344, %add3A_347 : vector<16xi1>, vector<16xi32>
    %swap3A_349 = arith.constant 2 : i32
    %swap3A_350 = arith.index_cast %swap3A_349 : i32 to index
    %swap3A_351 = arith.constant 0 : index
    %swap3A_352 = tpu.vector_load %arg7[%swap3A_350, %swap3A_351] {strides = array<i32>} : memref<4x128xi32, #tpu.memory_space<vmem>>, vector<1x16xi32>,
    %swap3A_353 = vector.shape_cast %swap3A_352 : vector<1x16xi32> to vector<16xi32>
    %swap3A_354 = vector.shape_cast %select_n3A_348 : vector<16xi32> to vector<1x16xi32>
    tpu.vector_store %arg7[%swap3A_350, %swap3A_351], %swap3A_354 {strides = array<i32>} : memref<4x128xi32, #tpu.memory_space<vmem>>, vector<1x16xi32>,
    %get3A_355 = arith.constant 2 : i32
    %get3A_356 = arith.index_cast %get3A_355 : i32 to index
    %get3A_357 = arith.constant 16 : index
    %get3A_358 = tpu.vector_load %arg6[%get3A_356, %get3A_357] {strides = array<i32>} : memref<4x128xi32, #tpu.memory_space<vmem>>, vector<1x16xi32>,
    %get3A_359 = vector.shape_cast %get3A_358 : vector<1x16xi32> to vector<16xi32>
    %ge3A_360 = arith.constant 500000 : i32
    %ge3A_361 = vector.broadcast %ge3A_360 : i32 to vector<16xi32>
    %ge3A_362 = arith.cmpi sge, %get3A_359, %ge3A_361 : vector<16xi32>
    %sub3A_363 = arith.constant 500000 : i32
    %sub3A_364 = vector.broadcast %sub3A_363 : i32 to vector<16xi32>
    %sub3A_365 = arith.subi %get3A_359, %sub3A_364 : vector<16xi32>
    %add3A_366 = arith.constant 500000 : i32
    %add3A_367 = vector.broadcast %add3A_366 : i32 to vector<16xi32>
    %add3A_368 = arith.addi %get3A_359, %add3A_367 : vector<16xi32>
    %select_n3A_369 = arith.select %ge3A_362, %sub3A_365, %add3A_368 : vector<16xi1>, vector<16xi32>
    %swap3A_370 = arith.constant 2 : i32
    %swap3A_371 = arith.index_cast %swap3A_370 : i32 to index
    %swap3A_372 = arith.constant 16 : index
    %swap3A_373 = tpu.vector_load %arg7[%swap3A_371, %swap3A_372] {strides = array<i32>} : memref<4x128xi32, #tpu.memory_space<vmem>>, vector<1x16xi32>,
    %swap3A_374 = vector.shape_cast %swap3A_373 : vector<1x16xi32> to vector<16xi32>
    %swap3A_375 = vector.shape_cast %select_n3A_369 : vector<16xi32> to vector<1x16xi32>
    tpu.vector_store %arg7[%swap3A_371, %swap3A_372], %swap3A_375 {strides = array<i32>} : memref<4x128xi32, #tpu.memory_space<vmem>>, vector<1x16xi32>,
    %get3A_376 = arith.constant 2 : i32
    %get3A_377 = arith.index_cast %get3A_376 : i32 to index
    %get3A_378 = arith.constant 32 : index
    %get3A_379 = tpu.vector_load %arg6[%get3A_377, %get3A_378] {strides = array<i32>} : memref<4x128xi32, #tpu.memory_space<vmem>>, vector<1x16xi32>,
    %get3A_380 = vector.shape_cast %get3A_379 : vector<1x16xi32> to vector<16xi32>
    %ge3A_381 = arith.constant 500000 : i32
    %ge3A_382 = vector.broadcast %ge3A_381 : i32 to vector<16xi32>
    %ge3A_383 = arith.cmpi sge, %get3A_380, %ge3A_382 : vector<16xi32>
    %sub3A_384 = arith.constant 500000 : i32
    %sub3A_385 = vector.broadcast %sub3A_384 : i32 to vector<16xi32>
    %sub3A_386 = arith.subi %get3A_380, %sub3A_385 : vector<16xi32>
    %add3A_387 = arith.constant 500000 : i32
    %add3A_388 = vector.broadcast %add3A_387 : i32 to vector<16xi32>
    %add3A_389 = arith.addi %get3A_380, %add3A_388 : vector<16xi32>
    %select_n3A_390 = arith.select %ge3A_383, %sub3A_386, %add3A_389 : vector<16xi1>, vector<16xi32>
    %swap3A_391 = arith.constant 2 : i32
    %swap3A_392 = arith.index_cast %swap3A_391 : i32 to index
    %swap3A_393 = arith.constant 32 : index
    %swap3A_394 = tpu.vector_load %arg7[%swap3A_392, %swap3A_393] {strides = array<i32>} : memref<4x128xi32, #tpu.memory_space<vmem>>, vector<1x16xi32>,
    %swap3A_395 = vector.shape_cast %swap3A_394 : vector<1x16xi32> to vector<16xi32>
    %swap3A_396 = vector.shape_cast %select_n3A_390 : vector<16xi32> to vector<1x16xi32>
    tpu.vector_store %arg7[%swap3A_392, %swap3A_393], %swap3A_396 {strides = array<i32>} : memref<4x128xi32, #tpu.memory_space<vmem>>, vector<1x16xi32>,
    %get3A_397 = arith.constant 2 : i32
    %get3A_398 = arith.index_cast %get3A_397 : i32 to index
    %get3A_399 = arith.constant 48 : index
    %get3A_400 = tpu.vector_load %arg6[%get3A_398, %get3A_399] {strides = array<i32>} : memref<4x128xi32, #tpu.memory_space<vmem>>, vector<1x16xi32>,
    %get3A_401 = vector.shape_cast %get3A_400 : vector<1x16xi32> to vector<16xi32>
    %ge3A_402 = arith.constant 500000 : i32
    %ge3A_403 = vector.broadcast %ge3A_402 : i32 to vector<16xi32>
    %ge3A_404 = arith.cmpi sge, %get3A_401, %ge3A_403 : vector<16xi32>
    %sub3A_405 = arith.constant 500000 : i32
    %sub3A_406 = vector.broadcast %sub3A_405 : i32 to vector<16xi32>
    %sub3A_407 = arith.subi %get3A_401, %sub3A_406 : vector<16xi32>
    %add3A_408 = arith.constant 500000 : i32
    %add3A_409 = vector.broadcast %add3A_408 : i32 to vector<16xi32>
    %add3A_410 = arith.addi %get3A_401, %add3A_409 : vector<16xi32>
    %select_n3A_411 = arith.select %ge3A_404, %sub3A_407, %add3A_410 : vector<16xi1>, vector<16xi32>
    %swap3A_412 = arith.constant 2 : i32
    %swap3A_413 = arith.index_cast %swap3A_412 : i32 to index
    %swap3A_414 = arith.constant 48 : index
    %swap3A_415 = tpu.vector_load %arg7[%swap3A_413, %swap3A_414] {strides = array<i32>} : memref<4x128xi32, #tpu.memory_space<vmem>>, vector<1x16xi32>,
    %swap3A_416 = vector.shape_cast %swap3A_415 : vector<1x16xi32> to vector<16xi32>
    %swap3A_417 = vector.shape_cast %select_n3A_411 : vector<16xi32> to vector<1x16xi32>
    tpu.vector_store %arg7[%swap3A_413, %swap3A_414], %swap3A_417 {strides = array<i32>} : memref<4x128xi32, #tpu.memory_space<vmem>>, vector<1x16xi32>,
    %get3A_418 = arith.constant 2 : i32
    %get3A_419 = arith.index_cast %get3A_418 : i32 to index
    %get3A_420 = arith.constant 64 : index
    %get3A_421 = tpu.vector_load %arg6[%get3A_419, %get3A_420] {strides = array<i32>} : memref<4x128xi32, #tpu.memory_space<vmem>>, vector<1x16xi32>,
    %get3A_422 = vector.shape_cast %get3A_421 : vector<1x16xi32> to vector<16xi32>
    %ge3A_423 = arith.constant 500000 : i32
    %ge3A_424 = vector.broadcast %ge3A_423 : i32 to vector<16xi32>
    %ge3A_425 = arith.cmpi sge, %get3A_422, %ge3A_424 : vector<16xi32>
    %sub3A_426 = arith.constant 500000 : i32
    %sub3A_427 = vector.broadcast %sub3A_426 : i32 to vector<16xi32>
    %sub3A_428 = arith.subi %get3A_422, %sub3A_427 : vector<16xi32>
    %add3A_429 = arith.constant 500000 : i32
    %add3A_430 = vector.broadcast %add3A_429 : i32 to vector<16xi32>
    %add3A_431 = arith.addi %get3A_422, %add3A_430 : vector<16xi32>
    %select_n3A_432 = arith.select %ge3A_425, %sub3A_428, %add3A_431 : vector<16xi1>, vector<16xi32>
    %swap3A_433 = arith.constant 2 : i32
    %swap3A_434 = arith.index_cast %swap3A_433 : i32 to index
    %swap3A_435 = arith.constant 64 : index
    %swap3A_436 = tpu.vector_load %arg7[%swap3A_434, %swap3A_435] {strides = array<i32>} : memref<4x128xi32, #tpu.memory_space<vmem>>, vector<1x16xi32>,
    %swap3A_437 = vector.shape_cast %swap3A_436 : vector<1x16xi32> to vector<16xi32>
    %swap3A_438 = vector.shape_cast %select_n3A_432 : vector<16xi32> to vector<1x16xi32>
    tpu.vector_store %arg7[%swap3A_434, %swap3A_435], %swap3A_438 {strides = array<i32>} : memref<4x128xi32, #tpu.memory_space<vmem>>, vector<1x16xi32>,
    %get3A_439 = arith.constant 2 : i32
    %get3A_440 = arith.index_cast %get3A_439 : i32 to index
    %get3A_441 = arith.constant 80 : index
    %get3A_442 = tpu.vector_load %arg6[%get3A_440, %get3A_441] {strides = array<i32>} : memref<4x128xi32, #tpu.memory_space<vmem>>, vector<1x16xi32>,
    %get3A_443 = vector.shape_cast %get3A_442 : vector<1x16xi32> to vector<16xi32>
    %ge3A_444 = arith.constant 500000 : i32
    %ge3A_445 = vector.broadcast %ge3A_444 : i32 to vector<16xi32>
    %ge3A_446 = arith.cmpi sge, %get3A_443, %ge3A_445 : vector<16xi32>
    %sub3A_447 = arith.constant 500000 : i32
    %sub3A_448 = vector.broadcast %sub3A_447 : i32 to vector<16xi32>
    %sub3A_449 = arith.subi %get3A_443, %sub3A_448 : vector<16xi32>
    %add3A_450 = arith.constant 500000 : i32
    %add3A_451 = vector.broadcast %add3A_450 : i32 to vector<16xi32>
    %add3A_452 = arith.addi %get3A_443, %add3A_451 : vector<16xi32>
    %select_n3A_453 = arith.select %ge3A_446, %sub3A_449, %add3A_452 : vector<16xi1>, vector<16xi32>
    %swap3A_454 = arith.constant 2 : i32
    %swap3A_455 = arith.index_cast %swap3A_454 : i32 to index
    %swap3A_456 = arith.constant 80 : index
    %swap3A_457 = tpu.vector_load %arg7[%swap3A_455, %swap3A_456] {strides = array<i32>} : memref<4x128xi32, #tpu.memory_space<vmem>>, vector<1x16xi32>,
    %swap3A_458 = vector.shape_cast %swap3A_457 : vector<1x16xi32> to vector<16xi32>
    %swap3A_459 = vector.shape_cast %select_n3A_453 : vector<16xi32> to vector<1x16xi32>
    tpu.vector_store %arg7[%swap3A_455, %swap3A_456], %swap3A_459 {strides = array<i32>} : memref<4x128xi32, #tpu.memory_space<vmem>>, vector<1x16xi32>,
    %get3A_460 = arith.constant 2 : i32
    %get3A_461 = arith.index_cast %get3A_460 : i32 to index
    %get3A_462 = arith.constant 96 : index
    %get3A_463 = tpu.vector_load %arg6[%get3A_461, %get3A_462] {strides = array<i32>} : memref<4x128xi32, #tpu.memory_space<vmem>>, vector<1x16xi32>,
    %get3A_464 = vector.shape_cast %get3A_463 : vector<1x16xi32> to vector<16xi32>
    %ge3A_465 = arith.constant 500000 : i32
    %ge3A_466 = vector.broadcast %ge3A_465 : i32 to vector<16xi32>
    %ge3A_467 = arith.cmpi sge, %get3A_464, %ge3A_466 : vector<16xi32>
    %sub3A_468 = arith.constant 500000 : i32
    %sub3A_469 = vector.broadcast %sub3A_468 : i32 to vector<16xi32>
    %sub3A_470 = arith.subi %get3A_464, %sub3A_469 : vector<16xi32>
    %add3A_471 = arith.constant 500000 : i32
    %add3A_472 = vector.broadcast %add3A_471 : i32 to vector<16xi32>
    %add3A_473 = arith.addi %get3A_464, %add3A_472 : vector<16xi32>
    %select_n3A_474 = arith.select %ge3A_467, %sub3A_470, %add3A_473 : vector<16xi1>, vector<16xi32>
    %swap3A_475 = arith.constant 2 : i32
    %swap3A_476 = arith.index_cast %swap3A_475 : i32 to index
    %swap3A_477 = arith.constant 96 : index
    %swap3A_478 = tpu.vector_load %arg7[%swap3A_476, %swap3A_477] {strides = array<i32>} : memref<4x128xi32, #tpu.memory_space<vmem>>, vector<1x16xi32>,
    %swap3A_479 = vector.shape_cast %swap3A_478 : vector<1x16xi32> to vector<16xi32>
    %swap3A_480 = vector.shape_cast %select_n3A_474 : vector<16xi32> to vector<1x16xi32>
    tpu.vector_store %arg7[%swap3A_476, %swap3A_477], %swap3A_480 {strides = array<i32>} : memref<4x128xi32, #tpu.memory_space<vmem>>, vector<1x16xi32>,
    %get3A_481 = arith.constant 2 : i32
    %get3A_482 = arith.index_cast %get3A_481 : i32 to index
    %get3A_483 = arith.constant 112 : index
    %get3A_484 = tpu.vector_load %arg6[%get3A_482, %get3A_483] {strides = array<i32>} : memref<4x128xi32, #tpu.memory_space<vmem>>, vector<1x16xi32>,
    %get3A_485 = vector.shape_cast %get3A_484 : vector<1x16xi32> to vector<16xi32>
    %ge3A_486 = arith.constant 500000 : i32
    %ge3A_487 = vector.broadcast %ge3A_486 : i32 to vector<16xi32>
    %ge3A_488 = arith.cmpi sge, %get3A_485, %ge3A_487 : vector<16xi32>
    %sub3A_489 = arith.constant 500000 : i32
    %sub3A_490 = vector.broadcast %sub3A_489 : i32 to vector<16xi32>
    %sub3A_491 = arith.subi %get3A_485, %sub3A_490 : vector<16xi32>
    %add3A_492 = arith.constant 500000 : i32
    %add3A_493 = vector.broadcast %add3A_492 : i32 to vector<16xi32>
    %add3A_494 = arith.addi %get3A_485, %add3A_493 : vector<16xi32>
    %select_n3A_495 = arith.select %ge3A_488, %sub3A_491, %add3A_494 : vector<16xi1>, vector<16xi32>
    %swap3A_496 = arith.constant 2 : i32
    %swap3A_497 = arith.index_cast %swap3A_496 : i32 to index
    %swap3A_498 = arith.constant 112 : index
    %swap3A_499 = tpu.vector_load %arg7[%swap3A_497, %swap3A_498] {strides = array<i32>} : memref<4x128xi32, #tpu.memory_space<vmem>>, vector<1x16xi32>,
    %swap3A_500 = vector.shape_cast %swap3A_499 : vector<1x16xi32> to vector<16xi32>
    %swap3A_501 = vector.shape_cast %select_n3A_495 : vector<16xi32> to vector<1x16xi32>
    tpu.vector_store %arg7[%swap3A_497, %swap3A_498], %swap3A_501 {strides = array<i32>} : memref<4x128xi32, #tpu.memory_space<vmem>>, vector<1x16xi32>,
    %get3A_502 = arith.constant 3 : i32
    %get3A_503 = arith.index_cast %get3A_502 : i32 to index
    %get3A_504 = arith.constant 0 : index
    %get3A_505 = tpu.vector_load %arg6[%get3A_503, %get3A_504] {strides = array<i32>} : memref<4x128xi32, #tpu.memory_space<vmem>>, vector<1x16xi32>,
    %get3A_506 = vector.shape_cast %get3A_505 : vector<1x16xi32> to vector<16xi32>
    %ge3A_507 = arith.constant 500000 : i32
    %ge3A_508 = vector.broadcast %ge3A_507 : i32 to vector<16xi32>
    %ge3A_509 = arith.cmpi sge, %get3A_506, %ge3A_508 : vector<16xi32>
    %sub3A_510 = arith.constant 500000 : i32
    %sub3A_511 = vector.broadcast %sub3A_510 : i32 to vector<16xi32>
    %sub3A_512 = arith.subi %get3A_506, %sub3A_511 : vector<16xi32>
    %add3A_513 = arith.constant 500000 : i32
    %add3A_514 = vector.broadcast %add3A_513 : i32 to vector<16xi32>
    %add3A_515 = arith.addi %get3A_506, %add3A_514 : vector<16xi32>
    %select_n3A_516 = arith.select %ge3A_509, %sub3A_512, %add3A_515 : vector<16xi1>, vector<16xi32>
    %swap3A_517 = arith.constant 3 : i32
    %swap3A_518 = arith.index_cast %swap3A_517 : i32 to index
    %swap3A_519 = arith.constant 0 : index
    %swap3A_520 = tpu.vector_load %arg7[%swap3A_518, %swap3A_519] {strides = array<i32>} : memref<4x128xi32, #tpu.memory_space<vmem>>, vector<1x16xi32>,
    %swap3A_521 = vector.shape_cast %swap3A_520 : vector<1x16xi32> to vector<16xi32>
    %swap3A_522 = vector.shape_cast %select_n3A_516 : vector<16xi32> to vector<1x16xi32>
    tpu.vector_store %arg7[%swap3A_518, %swap3A_519], %swap3A_522 {strides = array<i32>} : memref<4x128xi32, #tpu.memory_space<vmem>>, vector<1x16xi32>,
    %get3A_523 = arith.constant 3 : i32
    %get3A_524 = arith.index_cast %get3A_523 : i32 to index
    %get3A_525 = arith.constant 16 : index
    %get3A_526 = tpu.vector_load %arg6[%get3A_524, %get3A_525] {strides = array<i32>} : memref<4x128xi32, #tpu.memory_space<vmem>>, vector<1x16xi32>,
    %get3A_527 = vector.shape_cast %get3A_526 : vector<1x16xi32> to vector<16xi32>
    %ge3A_528 = arith.constant 500000 : i32
    %ge3A_529 = vector.broadcast %ge3A_528 : i32 to vector<16xi32>
    %ge3A_530 = arith.cmpi sge, %get3A_527, %ge3A_529 : vector<16xi32>
    %sub3A_531 = arith.constant 500000 : i32
    %sub3A_532 = vector.broadcast %sub3A_531 : i32 to vector<16xi32>
    %sub3A_533 = arith.subi %get3A_527, %sub3A_532 : vector<16xi32>
    %add3A_534 = arith.constant 500000 : i32
    %add3A_535 = vector.broadcast %add3A_534 : i32 to vector<16xi32>
    %add3A_536 = arith.addi %get3A_527, %add3A_535 : vector<16xi32>
    %select_n3A_537 = arith.select %ge3A_530, %sub3A_533, %add3A_536 : vector<16xi1>, vector<16xi32>
    %swap3A_538 = arith.constant 3 : i32
    %swap3A_539 = arith.index_cast %swap3A_538 : i32 to index
    %swap3A_540 = arith.constant 16 : index
    %swap3A_541 = tpu.vector_load %arg7[%swap3A_539, %swap3A_540] {strides = array<i32>} : memref<4x128xi32, #tpu.memory_space<vmem>>, vector<1x16xi32>,
    %swap3A_542 = vector.shape_cast %swap3A_541 : vector<1x16xi32> to vector<16xi32>
    %swap3A_543 = vector.shape_cast %select_n3A_537 : vector<16xi32> to vector<1x16xi32>
    tpu.vector_store %arg7[%swap3A_539, %swap3A_540], %swap3A_543 {strides = array<i32>} : memref<4x128xi32, #tpu.memory_space<vmem>>, vector<1x16xi32>,
    %get3A_544 = arith.constant 3 : i32
    %get3A_545 = arith.index_cast %get3A_544 : i32 to index
    %get3A_546 = arith.constant 32 : index
    %get3A_547 = tpu.vector_load %arg6[%get3A_545, %get3A_546] {strides = array<i32>} : memref<4x128xi32, #tpu.memory_space<vmem>>, vector<1x16xi32>,
    %get3A_548 = vector.shape_cast %get3A_547 : vector<1x16xi32> to vector<16xi32>
    %ge3A_549 = arith.constant 500000 : i32
    %ge3A_550 = vector.broadcast %ge3A_549 : i32 to vector<16xi32>
    %ge3A_551 = arith.cmpi sge, %get3A_548, %ge3A_550 : vector<16xi32>
    %sub3A_552 = arith.constant 500000 : i32
    %sub3A_553 = vector.broadcast %sub3A_552 : i32 to vector<16xi32>
    %sub3A_554 = arith.subi %get3A_548, %sub3A_553 : vector<16xi32>
    %add3A_555 = arith.constant 500000 : i32
    %add3A_556 = vector.broadcast %add3A_555 : i32 to vector<16xi32>
    %add3A_557 = arith.addi %get3A_548, %add3A_556 : vector<16xi32>
    %select_n3A_558 = arith.select %ge3A_551, %sub3A_554, %add3A_557 : vector<16xi1>, vector<16xi32>
    %swap3A_559 = arith.constant 3 : i32
    %swap3A_560 = arith.index_cast %swap3A_559 : i32 to index
    %swap3A_561 = arith.constant 32 : index
    %swap3A_562 = tpu.vector_load %arg7[%swap3A_560, %swap3A_561] {strides = array<i32>} : memref<4x128xi32, #tpu.memory_space<vmem>>, vector<1x16xi32>,
    %swap3A_563 = vector.shape_cast %swap3A_562 : vector<1x16xi32> to vector<16xi32>
    %swap3A_564 = vector.shape_cast %select_n3A_558 : vector<16xi32> to vector<1x16xi32>
    tpu.vector_store %arg7[%swap3A_560, %swap3A_561], %swap3A_564 {strides = array<i32>} : memref<4x128xi32, #tpu.memory_space<vmem>>, vector<1x16xi32>,
    %get3A_565 = arith.constant 3 : i32
    %get3A_566 = arith.index_cast %get3A_565 : i32 to index
    %get3A_567 = arith.constant 48 : index
    %get3A_568 = tpu.vector_load %arg6[%get3A_566, %get3A_567] {strides = array<i32>} : memref<4x128xi32, #tpu.memory_space<vmem>>, vector<1x16xi32>,
    %get3A_569 = vector.shape_cast %get3A_568 : vector<1x16xi32> to vector<16xi32>
    %ge3A_570 = arith.constant 500000 : i32
    %ge3A_571 = vector.broadcast %ge3A_570 : i32 to vector<16xi32>
    %ge3A_572 = arith.cmpi sge, %get3A_569, %ge3A_571 : vector<16xi32>
    %sub3A_573 = arith.constant 500000 : i32
    %sub3A_574 = vector.broadcast %sub3A_573 : i32 to vector<16xi32>
    %sub3A_575 = arith.subi %get3A_569, %sub3A_574 : vector<16xi32>
    %add3A_576 = arith.constant 500000 : i32
    %add3A_577 = vector.broadcast %add3A_576 : i32 to vector<16xi32>
    %add3A_578 = arith.addi %get3A_569, %add3A_577 : vector<16xi32>
    %select_n3A_579 = arith.select %ge3A_572, %sub3A_575, %add3A_578 : vector<16xi1>, vector<16xi32>
    %swap3A_580 = arith.constant 3 : i32
    %swap3A_581 = arith.index_cast %swap3A_580 : i32 to index
    %swap3A_582 = arith.constant 48 : index
    %swap3A_583 = tpu.vector_load %arg7[%swap3A_581, %swap3A_582] {strides = array<i32>} : memref<4x128xi32, #tpu.memory_space<vmem>>, vector<1x16xi32>,
    %swap3A_584 = vector.shape_cast %swap3A_583 : vector<1x16xi32> to vector<16xi32>
    %swap3A_585 = vector.shape_cast %select_n3A_579 : vector<16xi32> to vector<1x16xi32>
    tpu.vector_store %arg7[%swap3A_581, %swap3A_582], %swap3A_585 {strides = array<i32>} : memref<4x128xi32, #tpu.memory_space<vmem>>, vector<1x16xi32>,
    %get3A_586 = arith.constant 3 : i32
    %get3A_587 = arith.index_cast %get3A_586 : i32 to index
    %get3A_588 = arith.constant 64 : index
    %get3A_589 = tpu.vector_load %arg6[%get3A_587, %get3A_588] {strides = array<i32>} : memref<4x128xi32, #tpu.memory_space<vmem>>, vector<1x16xi32>,
    %get3A_590 = vector.shape_cast %get3A_589 : vector<1x16xi32> to vector<16xi32>
    %ge3A_591 = arith.constant 500000 : i32
    %ge3A_592 = vector.broadcast %ge3A_591 : i32 to vector<16xi32>
    %ge3A_593 = arith.cmpi sge, %get3A_590, %ge3A_592 : vector<16xi32>
    %sub3A_594 = arith.constant 500000 : i32
    %sub3A_595 = vector.broadcast %sub3A_594 : i32 to vector<16xi32>
    %sub3A_596 = arith.subi %get3A_590, %sub3A_595 : vector<16xi32>
    %add3A_597 = arith.constant 500000 : i32
    %add3A_598 = vector.broadcast %add3A_597 : i32 to vector<16xi32>
    %add3A_599 = arith.addi %get3A_590, %add3A_598 : vector<16xi32>
    %select_n3A_600 = arith.select %ge3A_593, %sub3A_596, %add3A_599 : vector<16xi1>, vector<16xi32>
    %swap3A_601 = arith.constant 3 : i32
    %swap3A_602 = arith.index_cast %swap3A_601 : i32 to index
    %swap3A_603 = arith.constant 64 : index
    %swap3A_604 = tpu.vector_load %arg7[%swap3A_602, %swap3A_603] {strides = array<i32>} : memref<4x128xi32, #tpu.memory_space<vmem>>, vector<1x16xi32>,
    %swap3A_605 = vector.shape_cast %swap3A_604 : vector<1x16xi32> to vector<16xi32>
    %swap3A_606 = vector.shape_cast %select_n3A_600 : vector<16xi32> to vector<1x16xi32>
    tpu.vector_store %arg7[%swap3A_602, %swap3A_603], %swap3A_606 {strides = array<i32>} : memref<4x128xi32, #tpu.memory_space<vmem>>, vector<1x16xi32>,
    %get3A_607 = arith.constant 3 : i32
    %get3A_608 = arith.index_cast %get3A_607 : i32 to index
    %get3A_609 = arith.constant 80 : index
    %get3A_610 = tpu.vector_load %arg6[%get3A_608, %get3A_609] {strides = array<i32>} : memref<4x128xi32, #tpu.memory_space<vmem>>, vector<1x16xi32>,
    %get3A_611 = vector.shape_cast %get3A_610 : vector<1x16xi32> to vector<16xi32>
    %ge3A_612 = arith.constant 500000 : i32
    %ge3A_613 = vector.broadcast %ge3A_612 : i32 to vector<16xi32>
    %ge3A_614 = arith.cmpi sge, %get3A_611, %ge3A_613 : vector<16xi32>
    %sub3A_615 = arith.constant 500000 : i32
    %sub3A_616 = vector.broadcast %sub3A_615 : i32 to vector<16xi32>
    %sub3A_617 = arith.subi %get3A_611, %sub3A_616 : vector<16xi32>
    %add3A_618 = arith.constant 500000 : i32
    %add3A_619 = vector.broadcast %add3A_618 : i32 to vector<16xi32>
    %add3A_620 = arith.addi %get3A_611, %add3A_619 : vector<16xi32>
    %select_n3A_621 = arith.select %ge3A_614, %sub3A_617, %add3A_620 : vector<16xi1>, vector<16xi32>
    %swap3A_622 = arith.constant 3 : i32
    %swap3A_623 = arith.index_cast %swap3A_622 : i32 to index
    %swap3A_624 = arith.constant 80 : index
    %swap3A_625 = tpu.vector_load %arg7[%swap3A_623, %swap3A_624] {strides = array<i32>} : memref<4x128xi32, #tpu.memory_space<vmem>>, vector<1x16xi32>,
    %swap3A_626 = vector.shape_cast %swap3A_625 : vector<1x16xi32> to vector<16xi32>
    %swap3A_627 = vector.shape_cast %select_n3A_621 : vector<16xi32> to vector<1x16xi32>
    tpu.vector_store %arg7[%swap3A_623, %swap3A_624], %swap3A_627 {strides = array<i32>} : memref<4x128xi32, #tpu.memory_space<vmem>>, vector<1x16xi32>,
    %get3A_628 = arith.constant 3 : i32
    %get3A_629 = arith.index_cast %get3A_628 : i32 to index
    %get3A_630 = arith.constant 96 : index
    %get3A_631 = tpu.vector_load %arg6[%get3A_629, %get3A_630] {strides = array<i32>} : memref<4x128xi32, #tpu.memory_space<vmem>>, vector<1x16xi32>,
    %get3A_632 = vector.shape_cast %get3A_631 : vector<1x16xi32> to vector<16xi32>
    %ge3A_633 = arith.constant 500000 : i32
    %ge3A_634 = vector.broadcast %ge3A_633 : i32 to vector<16xi32>
    %ge3A_635 = arith.cmpi sge, %get3A_632, %ge3A_634 : vector<16xi32>
    %sub3A_636 = arith.constant 500000 : i32
    %sub3A_637 = vector.broadcast %sub3A_636 : i32 to vector<16xi32>
    %sub3A_638 = arith.subi %get3A_632, %sub3A_637 : vector<16xi32>
    %add3A_639 = arith.constant 500000 : i32
    %add3A_640 = vector.broadcast %add3A_639 : i32 to vector<16xi32>
    %add3A_641 = arith.addi %get3A_632, %add3A_640 : vector<16xi32>
    %select_n3A_642 = arith.select %ge3A_635, %sub3A_638, %add3A_641 : vector<16xi1>, vector<16xi32>
    %swap3A_643 = arith.constant 3 : i32
    %swap3A_644 = arith.index_cast %swap3A_643 : i32 to index
    %swap3A_645 = arith.constant 96 : index
    %swap3A_646 = tpu.vector_load %arg7[%swap3A_644, %swap3A_645] {strides = array<i32>} : memref<4x128xi32, #tpu.memory_space<vmem>>, vector<1x16xi32>,
    %swap3A_647 = vector.shape_cast %swap3A_646 : vector<1x16xi32> to vector<16xi32>
    %swap3A_648 = vector.shape_cast %select_n3A_642 : vector<16xi32> to vector<1x16xi32>
    tpu.vector_store %arg7[%swap3A_644, %swap3A_645], %swap3A_648 {strides = array<i32>} : memref<4x128xi32, #tpu.memory_space<vmem>>, vector<1x16xi32>,
    %get3A_649 = arith.constant 3 : i32
    %get3A_650 = arith.index_cast %get3A_649 : i32 to index
    %get3A_651 = arith.constant 112 : index
    %get3A_652 = tpu.vector_load %arg6[%get3A_650, %get3A_651] {strides = array<i32>} : memref<4x128xi32, #tpu.memory_space<vmem>>, vector<1x16xi32>,
    %get3A_653 = vector.shape_cast %get3A_652 : vector<1x16xi32> to vector<16xi32>
    %ge3A_654 = arith.constant 500000 : i32
    %ge3A_655 = vector.broadcast %ge3A_654 : i32 to vector<16xi32>
    %ge3A_656 = arith.cmpi sge, %get3A_653, %ge3A_655 : vector<16xi32>
    %sub3A_657 = arith.constant 500000 : i32
    %sub3A_658 = vector.broadcast %sub3A_657 : i32 to vector<16xi32>
    %sub3A_659 = arith.subi %get3A_653, %sub3A_658 : vector<16xi32>
    %add3A_660 = arith.constant 500000 : i32
    %add3A_661 = vector.broadcast %add3A_660 : i32 to vector<16xi32>
    %add3A_662 = arith.addi %get3A_653, %add3A_661 : vector<16xi32>
    %select_n3A_663 = arith.select %ge3A_656, %sub3A_659, %add3A_662 : vector<16xi1>, vector<16xi32>
    %swap3A_664 = arith.constant 3 : i32
    %swap3A_665 = arith.index_cast %swap3A_664 : i32 to index
    %swap3A_666 = arith.constant 112 : index
    %swap3A_667 = tpu.vector_load %arg7[%swap3A_665, %swap3A_666] {strides = array<i32>} : memref<4x128xi32, #tpu.memory_space<vmem>>, vector<1x16xi32>,
    %swap3A_668 = vector.shape_cast %swap3A_667 : vector<1x16xi32> to vector<16xi32>
    %swap3A_669 = vector.shape_cast %select_n3A_663 : vector<16xi32> to vector<1x16xi32>
    tpu.vector_store %arg7[%swap3A_665, %swap3A_666], %swap3A_669 {strides = array<i32>} : memref<4x128xi32, #tpu.memory_space<vmem>>, vector<1x16xi32>,
    %dma_start3A = arith.constant 0 : i32
    %dma_start3A_670 = arith.constant 0 : i32
    %dma_start3A_671 = arith.constant 0 : i32
    %dma_start3A_672 = arith.constant 0 : i32
    %dma_start3A_673 = tpu.memref_slice %arg8[%dma_start3A_670, %dma_start3A_671, %dma_start3A_672] : memref<4x128x128xf32, #tpu.memory_space<vmem>> -> memref<1x128x128xf32, #tpu.memory_space<vmem>>
    %dma_start3A_674 = tpu.memref_squeeze %dma_start3A_673 : memref<1x128x128xf32, #tpu.memory_space<vmem>> -> memref<128x128xf32, #tpu.memory_space<vmem>>
    %dma_start3A_675 = arith.constant 0 : i32
    %dma_start3A_676 = tpu.memref_slice %arg6[%dma_start3A, %dma_start3A_675] : memref<4x128xi32, #tpu.memory_space<vmem>> -> memref<1x128xi32, #tpu.memory_space<vmem>>
    %dma_start3A_677 = tpu.memref_squeeze %dma_start3A_676 : memref<1x128xi32, #tpu.memory_space<vmem>> -> memref<128xi32, #tpu.memory_space<vmem>>
    %dma_start3A_678 = arith.constant 0 : i32
    %dma_start3A_679 = arith.constant 0 : i32
    %dma_start3A_680 = tpu.memref_slice %arg3[%dma_start3A_678, %dma_start3A_679] : memref<1000000x128xf32, #tpu.memory_space<hbm>> -> memref<1000000x128xf32, #tpu.memory_space<hbm>>
    tpu.enqueue_indirect_dma source(%dma_start3A_680 : memref<1000000x128xf32, #tpu.memory_space<hbm>>) target(%dma_start3A_674 : memref<128x128xf32, #tpu.memory_space<vmem>>) offsets(%dma_start3A_677 : memref<128xi32, #tpu.memory_space<vmem>>) semaphore(%arg9 : memref<!tpu.dma_semaphore, #tpu.memory_space<semaphore_mem>>)
    %dma_start3A_681 = arith.constant 1 : i32
    %dma_start3A_682 = arith.constant 1 : i32
    %dma_start3A_683 = arith.constant 0 : i32
    %dma_start3A_684 = arith.constant 0 : i32
    %dma_start3A_685 = tpu.memref_slice %arg8[%dma_start3A_682, %dma_start3A_683, %dma_start3A_684] : memref<4x128x128xf32, #tpu.memory_space<vmem>> -> memref<1x128x128xf32, #tpu.memory_space<vmem>>
    %dma_start3A_686 = tpu.memref_squeeze %dma_start3A_685 : memref<1x128x128xf32, #tpu.memory_space<vmem>> -> memref<128x128xf32, #tpu.memory_space<vmem>>
    %dma_start3A_687 = arith.constant 0 : i32
    %dma_start3A_688 = tpu.memref_slice %arg6[%dma_start3A_681, %dma_start3A_687] : memref<4x128xi32, #tpu.memory_space<vmem>> -> memref<1x128xi32, #tpu.memory_space<vmem>>
    %dma_start3A_689 = tpu.memref_squeeze %dma_start3A_688 : memref<1x128xi32, #tpu.memory_space<vmem>> -> memref<128xi32, #tpu.memory_space<vmem>>
    %dma_start3A_690 = arith.constant 0 : i32
    %dma_start3A_691 = arith.constant 0 : i32
    %dma_start3A_692 = tpu.memref_slice %arg3[%dma_start3A_690, %dma_start3A_691] : memref<1000000x128xf32, #tpu.memory_space<hbm>> -> memref<1000000x128xf32, #tpu.memory_space<hbm>>
    tpu.enqueue_indirect_dma source(%dma_start3A_692 : memref<1000000x128xf32, #tpu.memory_space<hbm>>) target(%dma_start3A_686 : memref<128x128xf32, #tpu.memory_space<vmem>>) offsets(%dma_start3A_689 : memref<128xi32, #tpu.memory_space<vmem>>) semaphore(%arg9 : memref<!tpu.dma_semaphore, #tpu.memory_space<semaphore_mem>>)
    %dma_start3A_693 = arith.constant 2 : i32
    %dma_start3A_694 = arith.constant 2 : i32
    %dma_start3A_695 = arith.constant 0 : i32
    %dma_start3A_696 = arith.constant 0 : i32
    %dma_start3A_697 = tpu.memref_slice %arg8[%dma_start3A_694, %dma_start3A_695, %dma_start3A_696] : memref<4x128x128xf32, #tpu.memory_space<vmem>> -> memref<1x128x128xf32, #tpu.memory_space<vmem>>
    %dma_start3A_698 = tpu.memref_squeeze %dma_start3A_697 : memref<1x128x128xf32, #tpu.memory_space<vmem>> -> memref<128x128xf32, #tpu.memory_space<vmem>>
    %dma_start3A_699 = arith.constant 0 : i32
    %dma_start3A_700 = tpu.memref_slice %arg6[%dma_start3A_693, %dma_start3A_699] : memref<4x128xi32, #tpu.memory_space<vmem>> -> memref<1x128xi32, #tpu.memory_space<vmem>>
    %dma_start3A_701 = tpu.memref_squeeze %dma_start3A_700 : memref<1x128xi32, #tpu.memory_space<vmem>> -> memref<128xi32, #tpu.memory_space<vmem>>
    %dma_start3A_702 = arith.constant 0 : i32
    %dma_start3A_703 = arith.constant 0 : i32
    %dma_start3A_704 = tpu.memref_slice %arg3[%dma_start3A_702, %dma_start3A_703] : memref<1000000x128xf32, #tpu.memory_space<hbm>> -> memref<1000000x128xf32, #tpu.memory_space<hbm>>
    tpu.enqueue_indirect_dma source(%dma_start3A_704 : memref<1000000x128xf32, #tpu.memory_space<hbm>>) target(%dma_start3A_698 : memref<128x128xf32, #tpu.memory_space<vmem>>) offsets(%dma_start3A_701 : memref<128xi32, #tpu.memory_space<vmem>>) semaphore(%arg9 : memref<!tpu.dma_semaphore, #tpu.memory_space<semaphore_mem>>)
    %dma_start3A_705 = arith.constant 3 : i32
    %dma_start3A_706 = arith.constant 3 : i32
    %dma_start3A_707 = arith.constant 0 : i32
    %dma_start3A_708 = arith.constant 0 : i32
    %dma_start3A_709 = tpu.memref_slice %arg8[%dma_start3A_706, %dma_start3A_707, %dma_start3A_708] : memref<4x128x128xf32, #tpu.memory_space<vmem>> -> memref<1x128x128xf32, #tpu.memory_space<vmem>>
    %dma_start3A_710 = tpu.memref_squeeze %dma_start3A_709 : memref<1x128x128xf32, #tpu.memory_space<vmem>> -> memref<128x128xf32, #tpu.memory_space<vmem>>
    %dma_start3A_711 = arith.constant 0 : i32
    %dma_start3A_712 = tpu.memref_slice %arg6[%dma_start3A_705, %dma_start3A_711] : memref<4x128xi32, #tpu.memory_space<vmem>> -> memref<1x128xi32, #tpu.memory_space<vmem>>
    %dma_start3A_713 = tpu.memref_squeeze %dma_start3A_712 : memref<1x128xi32, #tpu.memory_space<vmem>> -> memref<128xi32, #tpu.memory_space<vmem>>
    %dma_start3A_714 = arith.constant 0 : i32
    %dma_start3A_715 = arith.constant 0 : i32
    %dma_start3A_716 = tpu.memref_slice %arg3[%dma_start3A_714, %dma_start3A_715] : memref<1000000x128xf32, #tpu.memory_space<hbm>> -> memref<1000000x128xf32, #tpu.memory_space<hbm>>
    tpu.enqueue_indirect_dma source(%dma_start3A_716 : memref<1000000x128xf32, #tpu.memory_space<hbm>>) target(%dma_start3A_710 : memref<128x128xf32, #tpu.memory_space<vmem>>) offsets(%dma_start3A_713 : memref<128xi32, #tpu.memory_space<vmem>>) semaphore(%arg9 : memref<!tpu.dma_semaphore, #tpu.memory_space<semaphore_mem>>)
    %dma_wait3A = arith.constant 0 : i32
    %dma_wait3A_717 = arith.constant 0 : i32
    %dma_wait3A_718 = arith.constant 0 : i32
    %dma_wait3A_719 = arith.constant 0 : i32
    %dma_wait3A_720 = tpu.memref_slice %arg8[%dma_wait3A_717, %dma_wait3A_718, %dma_wait3A_719] : memref<4x128x128xf32, #tpu.memory_space<vmem>> -> memref<1x128x128xf32, #tpu.memory_space<vmem>>
    %dma_wait3A_721 = tpu.memref_squeeze %dma_wait3A_720 : memref<1x128x128xf32, #tpu.memory_space<vmem>> -> memref<128x128xf32, #tpu.memory_space<vmem>>
    %dma_wait3A_722 = arith.constant 0 : i32
    %dma_wait3A_723 = tpu.memref_slice %arg6[%dma_wait3A, %dma_wait3A_722] : memref<4x128xi32, #tpu.memory_space<vmem>> -> memref<1x128xi32, #tpu.memory_space<vmem>>
    %dma_wait3A_724 = tpu.memref_squeeze %dma_wait3A_723 : memref<1x128xi32, #tpu.memory_space<vmem>> -> memref<128xi32, #tpu.memory_space<vmem>>
    %dma_wait3A_725 = arith.constant 0 : i32
    %dma_wait3A_726 = arith.constant 0 : i32
    %dma_wait3A_727 = tpu.memref_slice %arg3[%dma_wait3A_725, %dma_wait3A_726] : memref<1000000x128xf32, #tpu.memory_space<hbm>> -> memref<1000000x128xf32, #tpu.memory_space<hbm>>
    tpu.wait_indirect_dma semaphore(%arg9 : memref<!tpu.dma_semaphore, #tpu.memory_space<semaphore_mem>>) src(%dma_wait3A_727 : memref<1000000x128xf32, #tpu.memory_space<hbm>>) dst(%dma_wait3A_721 : memref<128x128xf32, #tpu.memory_space<vmem>>)
    %dma_wait3A_728 = arith.constant 1 : i32
    %dma_wait3A_729 = arith.constant 1 : i32
    %dma_wait3A_730 = arith.constant 0 : i32
    %dma_wait3A_731 = arith.constant 0 : i32
    %dma_wait3A_732 = tpu.memref_slice %arg8[%dma_wait3A_729, %dma_wait3A_730, %dma_wait3A_731] : memref<4x128x128xf32, #tpu.memory_space<vmem>> -> memref<1x128x128xf32, #tpu.memory_space<vmem>>
    %dma_wait3A_733 = tpu.memref_squeeze %dma_wait3A_732 : memref<1x128x128xf32, #tpu.memory_space<vmem>> -> memref<128x128xf32, #tpu.memory_space<vmem>>
    %dma_wait3A_734 = arith.constant 0 : i32
    %dma_wait3A_735 = tpu.memref_slice %arg6[%dma_wait3A_728, %dma_wait3A_734] : memref<4x128xi32, #tpu.memory_space<vmem>> -> memref<1x128xi32, #tpu.memory_space<vmem>>
    %dma_wait3A_736 = tpu.memref_squeeze %dma_wait3A_735 : memref<1x128xi32, #tpu.memory_space<vmem>> -> memref<128xi32, #tpu.memory_space<vmem>>
    %dma_wait3A_737 = arith.constant 0 : i32
    %dma_wait3A_738 = arith.constant 0 : i32
    %dma_wait3A_739 = tpu.memref_slice %arg3[%dma_wait3A_737, %dma_wait3A_738] : memref<1000000x128xf32, #tpu.memory_space<hbm>> -> memref<1000000x128xf32, #tpu.memory_space<hbm>>
    tpu.wait_indirect_dma semaphore(%arg9 : memref<!tpu.dma_semaphore, #tpu.memory_space<semaphore_mem>>) src(%dma_wait3A_739 : memref<1000000x128xf32, #tpu.memory_space<hbm>>) dst(%dma_wait3A_733 : memref<128x128xf32, #tpu.memory_space<vmem>>)
    %dma_wait3A_740 = arith.constant 2 : i32
    %dma_wait3A_741 = arith.constant 2 : i32
    %dma_wait3A_742 = arith.constant 0 : i32
    %dma_wait3A_743 = arith.constant 0 : i32
    %dma_wait3A_744 = tpu.memref_slice %arg8[%dma_wait3A_741, %dma_wait3A_742, %dma_wait3A_743] : memref<4x128x128xf32, #tpu.memory_space<vmem>> -> memref<1x128x128xf32, #tpu.memory_space<vmem>>
    %dma_wait3A_745 = tpu.memref_squeeze %dma_wait3A_744 : memref<1x128x128xf32, #tpu.memory_space<vmem>> -> memref<128x128xf32, #tpu.memory_space<vmem>>
    %dma_wait3A_746 = arith.constant 0 : i32
    %dma_wait3A_747 = tpu.memref_slice %arg6[%dma_wait3A_740, %dma_wait3A_746] : memref<4x128xi32, #tpu.memory_space<vmem>> -> memref<1x128xi32, #tpu.memory_space<vmem>>
    %dma_wait3A_748 = tpu.memref_squeeze %dma_wait3A_747 : memref<1x128xi32, #tpu.memory_space<vmem>> -> memref<128xi32, #tpu.memory_space<vmem>>
    %dma_wait3A_749 = arith.constant 0 : i32
    %dma_wait3A_750 = arith.constant 0 : i32
    %dma_wait3A_751 = tpu.memref_slice %arg3[%dma_wait3A_749, %dma_wait3A_750] : memref<1000000x128xf32, #tpu.memory_space<hbm>> -> memref<1000000x128xf32, #tpu.memory_space<hbm>>
    tpu.wait_indirect_dma semaphore(%arg9 : memref<!tpu.dma_semaphore, #tpu.memory_space<semaphore_mem>>) src(%dma_wait3A_751 : memref<1000000x128xf32, #tpu.memory_space<hbm>>) dst(%dma_wait3A_745 : memref<128x128xf32, #tpu.memory_space<vmem>>)
    %dma_wait3A_752 = arith.constant 3 : i32
    %dma_wait3A_753 = arith.constant 3 : i32
    %dma_wait3A_754 = arith.constant 0 : i32
    %dma_wait3A_755 = arith.constant 0 : i32
    %dma_wait3A_756 = tpu.memref_slice %arg8[%dma_wait3A_753, %dma_wait3A_754, %dma_wait3A_755] : memref<4x128x128xf32, #tpu.memory_space<vmem>> -> memref<1x128x128xf32, #tpu.memory_space<vmem>>
    %dma_wait3A_757 = tpu.memref_squeeze %dma_wait3A_756 : memref<1x128x128xf32, #tpu.memory_space<vmem>> -> memref<128x128xf32, #tpu.memory_space<vmem>>
    %dma_wait3A_758 = arith.constant 0 : i32
    %dma_wait3A_759 = tpu.memref_slice %arg6[%dma_wait3A_752, %dma_wait3A_758] : memref<4x128xi32, #tpu.memory_space<vmem>> -> memref<1x128xi32, #tpu.memory_space<vmem>>
    %dma_wait3A_760 = tpu.memref_squeeze %dma_wait3A_759 : memref<1x128xi32, #tpu.memory_space<vmem>> -> memref<128xi32, #tpu.memory_space<vmem>>
    %dma_wait3A_761 = arith.constant 0 : i32
    %dma_wait3A_762 = arith.constant 0 : i32
    %dma_wait3A_763 = tpu.memref_slice %arg3[%dma_wait3A_761, %dma_wait3A_762] : memref<1000000x128xf32, #tpu.memory_space<hbm>> -> memref<1000000x128xf32, #tpu.memory_space<hbm>>
    tpu.wait_indirect_dma semaphore(%arg9 : memref<!tpu.dma_semaphore, #tpu.memory_space<semaphore_mem>>) src(%dma_wait3A_763 : memref<1000000x128xf32, #tpu.memory_space<hbm>>) dst(%dma_wait3A_757 : memref<128x128xf32, #tpu.memory_space<vmem>>)
    "tpu.region"() ({
      %run_scoped3A = tpu.sem_alloc : memref<!tpu.dma_semaphore, #tpu.memory_space<semaphore_mem>>
      %dma_start3A_860 = arith.constant 0 : i32
      %dma_start3A_861 = arith.constant 0 : i32
      %dma_start3A_862 = tpu.memref_slice %arg4[%mul3A_2, %dma_start3A_860, %dma_start3A_861] : memref<128x128x128xf32, #tpu.memory_space<hbm>> -> memref<4x128x128xf32, #tpu.memory_space<hbm>>
      %dma_start3A_863 = arith.constant 0 : i32
      %dma_start3A_864 = arith.constant 0 : i32
      %dma_start3A_865 = tpu.memref_slice %arg4[%mul3A_2, %dma_start3A_863, %dma_start3A_864] : memref<128x128x128xf32, #tpu.memory_space<hbm>> -> memref<4x128x128xf32, #tpu.memory_space<hbm>>
      tpu.enqueue_dma source(%arg8 : memref<4x128x128xf32, #tpu.memory_space<vmem>>) target(%dma_start3A_865 : memref<4x128x128xf32, #tpu.memory_space<hbm>>) target_semaphore(%run_scoped3A : memref<!tpu.dma_semaphore, #tpu.memory_space<semaphore_mem>>)
      %dma_wait3A_866 = arith.constant 0 : i32
      %dma_wait3A_867 = arith.constant 0 : i32
      %dma_wait3A_868 = tpu.memref_slice %arg4[%mul3A_2, %dma_wait3A_866, %dma_wait3A_867] : memref<128x128x128xf32, #tpu.memory_space<hbm>> -> memref<4x128x128xf32, #tpu.memory_space<hbm>>
      %dma_wait3A_869 = arith.constant 0 : i32
      %dma_wait3A_870 = arith.constant 0 : i32
      %dma_wait3A_871 = tpu.memref_slice %arg4[%mul3A_2, %dma_wait3A_869, %dma_wait3A_870] : memref<128x128x128xf32, #tpu.memory_space<hbm>> -> memref<4x128x128xf32, #tpu.memory_space<hbm>>
      tpu.wait_dma2 semaphore(%run_scoped3A : memref<!tpu.dma_semaphore, #tpu.memory_space<semaphore_mem>>) src(%arg8 : memref<4x128x128xf32, #tpu.memory_space<vmem>>) dst(%dma_wait3A_871 : memref<4x128x128xf32, #tpu.memory_space<hbm>>)
      tpu.yield
    }) : () -> ()
    %dma_start3A_764 = arith.constant 0 : i32
    %dma_start3A_765 = arith.constant 0 : i32
    %dma_start3A_766 = arith.constant 0 : i32
    %dma_start3A_767 = arith.constant 0 : i32
    %dma_start3A_768 = tpu.memref_slice %arg8[%dma_start3A_765, %dma_start3A_766, %dma_start3A_767] : memref<4x128x128xf32, #tpu.memory_space<vmem>> -> memref<1x128x128xf32, #tpu.memory_space<vmem>>
    %dma_start3A_769 = tpu.memref_squeeze %dma_start3A_768 : memref<1x128x128xf32, #tpu.memory_space<vmem>> -> memref<128x128xf32, #tpu.memory_space<vmem>>
    %dma_start3A_770 = arith.constant 0 : i32
    %dma_start3A_771 = tpu.memref_slice %arg7[%dma_start3A_764, %dma_start3A_770] : memref<4x128xi32, #tpu.memory_space<vmem>> -> memref<1x128xi32, #tpu.memory_space<vmem>>
    %dma_start3A_772 = tpu.memref_squeeze %dma_start3A_771 : memref<1x128xi32, #tpu.memory_space<vmem>> -> memref<128xi32, #tpu.memory_space<vmem>>
    %dma_start3A_773 = arith.constant 0 : i32
    %dma_start3A_774 = arith.constant 0 : i32
    %dma_start3A_775 = tpu.memref_slice %arg3[%dma_start3A_773, %dma_start3A_774] : memref<1000000x128xf32, #tpu.memory_space<hbm>> -> memref<1000000x128xf32, #tpu.memory_space<hbm>>
    tpu.enqueue_indirect_dma source(%dma_start3A_775 : memref<1000000x128xf32, #tpu.memory_space<hbm>>) target(%dma_start3A_769 : memref<128x128xf32, #tpu.memory_space<vmem>>) offsets(%dma_start3A_772 : memref<128xi32, #tpu.memory_space<vmem>>) semaphore(%arg9 : memref<!tpu.dma_semaphore, #tpu.memory_space<semaphore_mem>>)
    %dma_start3A_776 = arith.constant 1 : i32
    %dma_start3A_777 = arith.constant 1 : i32
    %dma_start3A_778 = arith.constant 0 : i32
    %dma_start3A_779 = arith.constant 0 : i32
    %dma_start3A_780 = tpu.memref_slice %arg8[%dma_start3A_777, %dma_start3A_778, %dma_start3A_779] : memref<4x128x128xf32, #tpu.memory_space<vmem>> -> memref<1x128x128xf32, #tpu.memory_space<vmem>>
    %dma_start3A_781 = tpu.memref_squeeze %dma_start3A_780 : memref<1x128x128xf32, #tpu.memory_space<vmem>> -> memref<128x128xf32, #tpu.memory_space<vmem>>
    %dma_start3A_782 = arith.constant 0 : i32
    %dma_start3A_783 = tpu.memref_slice %arg7[%dma_start3A_776, %dma_start3A_782] : memref<4x128xi32, #tpu.memory_space<vmem>> -> memref<1x128xi32, #tpu.memory_space<vmem>>
    %dma_start3A_784 = tpu.memref_squeeze %dma_start3A_783 : memref<1x128xi32, #tpu.memory_space<vmem>> -> memref<128xi32, #tpu.memory_space<vmem>>
    %dma_start3A_785 = arith.constant 0 : i32
    %dma_start3A_786 = arith.constant 0 : i32
    %dma_start3A_787 = tpu.memref_slice %arg3[%dma_start3A_785, %dma_start3A_786] : memref<1000000x128xf32, #tpu.memory_space<hbm>> -> memref<1000000x128xf32, #tpu.memory_space<hbm>>
    tpu.enqueue_indirect_dma source(%dma_start3A_787 : memref<1000000x128xf32, #tpu.memory_space<hbm>>) target(%dma_start3A_781 : memref<128x128xf32, #tpu.memory_space<vmem>>) offsets(%dma_start3A_784 : memref<128xi32, #tpu.memory_space<vmem>>) semaphore(%arg9 : memref<!tpu.dma_semaphore, #tpu.memory_space<semaphore_mem>>)
    %dma_start3A_788 = arith.constant 2 : i32
    %dma_start3A_789 = arith.constant 2 : i32
    %dma_start3A_790 = arith.constant 0 : i32
    %dma_start3A_791 = arith.constant 0 : i32
    %dma_start3A_792 = tpu.memref_slice %arg8[%dma_start3A_789, %dma_start3A_790, %dma_start3A_791] : memref<4x128x128xf32, #tpu.memory_space<vmem>> -> memref<1x128x128xf32, #tpu.memory_space<vmem>>
    %dma_start3A_793 = tpu.memref_squeeze %dma_start3A_792 : memref<1x128x128xf32, #tpu.memory_space<vmem>> -> memref<128x128xf32, #tpu.memory_space<vmem>>
    %dma_start3A_794 = arith.constant 0 : i32
    %dma_start3A_795 = tpu.memref_slice %arg7[%dma_start3A_788, %dma_start3A_794] : memref<4x128xi32, #tpu.memory_space<vmem>> -> memref<1x128xi32, #tpu.memory_space<vmem>>
    %dma_start3A_796 = tpu.memref_squeeze %dma_start3A_795 : memref<1x128xi32, #tpu.memory_space<vmem>> -> memref<128xi32, #tpu.memory_space<vmem>>
    %dma_start3A_797 = arith.constant 0 : i32
    %dma_start3A_798 = arith.constant 0 : i32
    %dma_start3A_799 = tpu.memref_slice %arg3[%dma_start3A_797, %dma_start3A_798] : memref<1000000x128xf32, #tpu.memory_space<hbm>> -> memref<1000000x128xf32, #tpu.memory_space<hbm>>
    tpu.enqueue_indirect_dma source(%dma_start3A_799 : memref<1000000x128xf32, #tpu.memory_space<hbm>>) target(%dma_start3A_793 : memref<128x128xf32, #tpu.memory_space<vmem>>) offsets(%dma_start3A_796 : memref<128xi32, #tpu.memory_space<vmem>>) semaphore(%arg9 : memref<!tpu.dma_semaphore, #tpu.memory_space<semaphore_mem>>)
    %dma_start3A_800 = arith.constant 3 : i32
    %dma_start3A_801 = arith.constant 3 : i32
    %dma_start3A_802 = arith.constant 0 : i32
    %dma_start3A_803 = arith.constant 0 : i32
    %dma_start3A_804 = tpu.memref_slice %arg8[%dma_start3A_801, %dma_start3A_802, %dma_start3A_803] : memref<4x128x128xf32, #tpu.memory_space<vmem>> -> memref<1x128x128xf32, #tpu.memory_space<vmem>>
    %dma_start3A_805 = tpu.memref_squeeze %dma_start3A_804 : memref<1x128x128xf32, #tpu.memory_space<vmem>> -> memref<128x128xf32, #tpu.memory_space<vmem>>
    %dma_start3A_806 = arith.constant 0 : i32
    %dma_start3A_807 = tpu.memref_slice %arg7[%dma_start3A_800, %dma_start3A_806] : memref<4x128xi32, #tpu.memory_space<vmem>> -> memref<1x128xi32, #tpu.memory_space<vmem>>
    %dma_start3A_808 = tpu.memref_squeeze %dma_start3A_807 : memref<1x128xi32, #tpu.memory_space<vmem>> -> memref<128xi32, #tpu.memory_space<vmem>>
    %dma_start3A_809 = arith.constant 0 : i32
    %dma_start3A_810 = arith.constant 0 : i32
    %dma_start3A_811 = tpu.memref_slice %arg3[%dma_start3A_809, %dma_start3A_810] : memref<1000000x128xf32, #tpu.memory_space<hbm>> -> memref<1000000x128xf32, #tpu.memory_space<hbm>>
    tpu.enqueue_indirect_dma source(%dma_start3A_811 : memref<1000000x128xf32, #tpu.memory_space<hbm>>) target(%dma_start3A_805 : memref<128x128xf32, #tpu.memory_space<vmem>>) offsets(%dma_start3A_808 : memref<128xi32, #tpu.memory_space<vmem>>) semaphore(%arg9 : memref<!tpu.dma_semaphore, #tpu.memory_space<semaphore_mem>>)
    %dma_wait3A_812 = arith.constant 0 : i32
    %dma_wait3A_813 = arith.constant 0 : i32
    %dma_wait3A_814 = arith.constant 0 : i32
    %dma_wait3A_815 = arith.constant 0 : i32
    %dma_wait3A_816 = tpu.memref_slice %arg8[%dma_wait3A_813, %dma_wait3A_814, %dma_wait3A_815] : memref<4x128x128xf32, #tpu.memory_space<vmem>> -> memref<1x128x128xf32, #tpu.memory_space<vmem>>
    %dma_wait3A_817 = tpu.memref_squeeze %dma_wait3A_816 : memref<1x128x128xf32, #tpu.memory_space<vmem>> -> memref<128x128xf32, #tpu.memory_space<vmem>>
    %dma_wait3A_818 = arith.constant 0 : i32
    %dma_wait3A_819 = tpu.memref_slice %arg7[%dma_wait3A_812, %dma_wait3A_818] : memref<4x128xi32, #tpu.memory_space<vmem>> -> memref<1x128xi32, #tpu.memory_space<vmem>>
    %dma_wait3A_820 = tpu.memref_squeeze %dma_wait3A_819 : memref<1x128xi32, #tpu.memory_space<vmem>> -> memref<128xi32, #tpu.memory_space<vmem>>
    %dma_wait3A_821 = arith.constant 0 : i32
    %dma_wait3A_822 = arith.constant 0 : i32
    %dma_wait3A_823 = tpu.memref_slice %arg3[%dma_wait3A_821, %dma_wait3A_822] : memref<1000000x128xf32, #tpu.memory_space<hbm>> -> memref<1000000x128xf32, #tpu.memory_space<hbm>>
    tpu.wait_indirect_dma semaphore(%arg9 : memref<!tpu.dma_semaphore, #tpu.memory_space<semaphore_mem>>) src(%dma_wait3A_823 : memref<1000000x128xf32, #tpu.memory_space<hbm>>) dst(%dma_wait3A_817 : memref<128x128xf32, #tpu.memory_space<vmem>>)
    %dma_wait3A_824 = arith.constant 1 : i32
    %dma_wait3A_825 = arith.constant 1 : i32
    %dma_wait3A_826 = arith.constant 0 : i32
    %dma_wait3A_827 = arith.constant 0 : i32
    %dma_wait3A_828 = tpu.memref_slice %arg8[%dma_wait3A_825, %dma_wait3A_826, %dma_wait3A_827] : memref<4x128x128xf32, #tpu.memory_space<vmem>> -> memref<1x128x128xf32, #tpu.memory_space<vmem>>
    %dma_wait3A_829 = tpu.memref_squeeze %dma_wait3A_828 : memref<1x128x128xf32, #tpu.memory_space<vmem>> -> memref<128x128xf32, #tpu.memory_space<vmem>>
    %dma_wait3A_830 = arith.constant 0 : i32
    %dma_wait3A_831 = tpu.memref_slice %arg7[%dma_wait3A_824, %dma_wait3A_830] : memref<4x128xi32, #tpu.memory_space<vmem>> -> memref<1x128xi32, #tpu.memory_space<vmem>>
    %dma_wait3A_832 = tpu.memref_squeeze %dma_wait3A_831 : memref<1x128xi32, #tpu.memory_space<vmem>> -> memref<128xi32, #tpu.memory_space<vmem>>
    %dma_wait3A_833 = arith.constant 0 : i32
    %dma_wait3A_834 = arith.constant 0 : i32
    %dma_wait3A_835 = tpu.memref_slice %arg3[%dma_wait3A_833, %dma_wait3A_834] : memref<1000000x128xf32, #tpu.memory_space<hbm>> -> memref<1000000x128xf32, #tpu.memory_space<hbm>>
    tpu.wait_indirect_dma semaphore(%arg9 : memref<!tpu.dma_semaphore, #tpu.memory_space<semaphore_mem>>) src(%dma_wait3A_835 : memref<1000000x128xf32, #tpu.memory_space<hbm>>) dst(%dma_wait3A_829 : memref<128x128xf32, #tpu.memory_space<vmem>>)
    %dma_wait3A_836 = arith.constant 2 : i32
    %dma_wait3A_837 = arith.constant 2 : i32
    %dma_wait3A_838 = arith.constant 0 : i32
    %dma_wait3A_839 = arith.constant 0 : i32
    %dma_wait3A_840 = tpu.memref_slice %arg8[%dma_wait3A_837, %dma_wait3A_838, %dma_wait3A_839] : memref<4x128x128xf32, #tpu.memory_space<vmem>> -> memref<1x128x128xf32, #tpu.memory_space<vmem>>
    %dma_wait3A_841 = tpu.memref_squeeze %dma_wait3A_840 : memref<1x128x128xf32, #tpu.memory_space<vmem>> -> memref<128x128xf32, #tpu.memory_space<vmem>>
    %dma_wait3A_842 = arith.constant 0 : i32
    %dma_wait3A_843 = tpu.memref_slice %arg7[%dma_wait3A_836, %dma_wait3A_842] : memref<4x128xi32, #tpu.memory_space<vmem>> -> memref<1x128xi32, #tpu.memory_space<vmem>>
    %dma_wait3A_844 = tpu.memref_squeeze %dma_wait3A_843 : memref<1x128xi32, #tpu.memory_space<vmem>> -> memref<128xi32, #tpu.memory_space<vmem>>
    %dma_wait3A_845 = arith.constant 0 : i32
    %dma_wait3A_846 = arith.constant 0 : i32
    %dma_wait3A_847 = tpu.memref_slice %arg3[%dma_wait3A_845, %dma_wait3A_846] : memref<1000000x128xf32, #tpu.memory_space<hbm>> -> memref<1000000x128xf32, #tpu.memory_space<hbm>>
    tpu.wait_indirect_dma semaphore(%arg9 : memref<!tpu.dma_semaphore, #tpu.memory_space<semaphore_mem>>) src(%dma_wait3A_847 : memref<1000000x128xf32, #tpu.memory_space<hbm>>) dst(%dma_wait3A_841 : memref<128x128xf32, #tpu.memory_space<vmem>>)
    %dma_wait3A_848 = arith.constant 3 : i32
    %dma_wait3A_849 = arith.constant 3 : i32
    %dma_wait3A_850 = arith.constant 0 : i32
    %dma_wait3A_851 = arith.constant 0 : i32
    %dma_wait3A_852 = tpu.memref_slice %arg8[%dma_wait3A_849, %dma_wait3A_850, %dma_wait3A_851] : memref<4x128x128xf32, #tpu.memory_space<vmem>> -> memref<1x128x128xf32, #tpu.memory_space<vmem>>
    %dma_wait3A_853 = tpu.memref_squeeze %dma_wait3A_852 : memref<1x128x128xf32, #tpu.memory_space<vmem>> -> memref<128x128xf32, #tpu.memory_space<vmem>>
    %dma_wait3A_854 = arith.constant 0 : i32
    %dma_wait3A_855 = tpu.memref_slice %arg7[%dma_wait3A_848, %dma_wait3A_854] : memref<4x128xi32, #tpu.memory_space<vmem>> -> memref<1x128xi32, #tpu.memory_space<vmem>>
    %dma_wait3A_856 = tpu.memref_squeeze %dma_wait3A_855 : memref<1x128xi32, #tpu.memory_space<vmem>> -> memref<128xi32, #tpu.memory_space<vmem>>
    %dma_wait3A_857 = arith.constant 0 : i32
    %dma_wait3A_858 = arith.constant 0 : i32
    %dma_wait3A_859 = tpu.memref_slice %arg3[%dma_wait3A_857, %dma_wait3A_858] : memref<1000000x128xf32, #tpu.memory_space<hbm>> -> memref<1000000x128xf32, #tpu.memory_space<hbm>>
    tpu.wait_indirect_dma semaphore(%arg9 : memref<!tpu.dma_semaphore, #tpu.memory_space<semaphore_mem>>) src(%dma_wait3A_859 : memref<1000000x128xf32, #tpu.memory_space<hbm>>) dst(%dma_wait3A_853 : memref<128x128xf32, #tpu.memory_space<vmem>>)
    "tpu.region"() ({
      %run_scoped3A = tpu.sem_alloc : memref<!tpu.dma_semaphore, #tpu.memory_space<semaphore_mem>>
      %dma_start3A_860 = arith.constant 0 : i32
      %dma_start3A_861 = arith.constant 0 : i32
      %dma_start3A_862 = tpu.memref_slice %arg5[%mul3A_2, %dma_start3A_860, %dma_start3A_861] : memref<128x128x128xf32, #tpu.memory_space<hbm>> -> memref<4x128x128xf32, #tpu.memory_space<hbm>>
      %dma_start3A_863 = arith.constant 0 : i32
      %dma_start3A_864 = arith.constant 0 : i32
      %dma_start3A_865 = tpu.memref_slice %arg5[%mul3A_2, %dma_start3A_863, %dma_start3A_864] : memref<128x128x128xf32, #tpu.memory_space<hbm>> -> memref<4x128x128xf32, #tpu.memory_space<hbm>>
      tpu.enqueue_dma source(%arg8 : memref<4x128x128xf32, #tpu.memory_space<vmem>>) target(%dma_start3A_865 : memref<4x128x128xf32, #tpu.memory_space<hbm>>) target_semaphore(%run_scoped3A : memref<!tpu.dma_semaphore, #tpu.memory_space<semaphore_mem>>)
      %dma_wait3A_866 = arith.constant 0 : i32
      %dma_wait3A_867 = arith.constant 0 : i32
      %dma_wait3A_868 = tpu.memref_slice %arg5[%mul3A_2, %dma_wait3A_866, %dma_wait3A_867] : memref<128x128x128xf32, #tpu.memory_space<hbm>> -> memref<4x128x128xf32, #tpu.memory_space<hbm>>
      %dma_wait3A_869 = arith.constant 0 : i32
      %dma_wait3A_870 = arith.constant 0 : i32
      %dma_wait3A_871 = tpu.memref_slice %arg5[%mul3A_2, %dma_wait3A_869, %dma_wait3A_870] : memref<128x128x128xf32, #tpu.memory_space<hbm>> -> memref<4x128x128xf32, #tpu.memory_space<hbm>>
      tpu.wait_dma2 semaphore(%run_scoped3A : memref<!tpu.dma_semaphore, #tpu.memory_space<semaphore_mem>>) src(%arg8 : memref<4x128x128xf32, #tpu.memory_space<vmem>>) dst(%dma_wait3A_871 : memref<4x128x128xf32, #tpu.memory_space<hbm>>)
      tpu.yield
    }) : () -> ()
    return
  }
}

module attributes {stable_mosaic.version = 14 : i64} {
  func.func @_mlp_body(%arg0: i32, %arg1: memref<2048x128xf32, #tpu.memory_space<vmem>>, %arg2: memref<2048x128xf32, #tpu.memory_space<vmem>>, %arg3: memref<2048x1xf32, #tpu.memory_space<vmem>>, %arg4: memref<128x128xf32, #tpu.memory_space<vmem>>, %arg5: memref<1x128xf32, #tpu.memory_space<vmem>>, %arg6: memref<1x128xf32, #tpu.memory_space<vmem>>, %arg7: memref<128x128xf32, #tpu.memory_space<vmem>>, %arg8: memref<1x128xf32, #tpu.memory_space<vmem>>, %arg9: memref<128x128xf32, #tpu.memory_space<vmem>>, %arg10: memref<1x128xf32, #tpu.memory_space<vmem>>, %arg11: memref<1x128xf32, #tpu.memory_space<vmem>>, %arg12: memref<2048x1xf32, #tpu.memory_space<vmem>>) attributes {dimension_semantics = [#tpu.dimension_semantics<arbitrary>], iteration_bounds = array<i64: 8>, scalar_prefetch = 0 : i64, scratch_operands = 0 : i64, tpu.core_type = #tpu.core_type<tc>, window_params = [{transform_indices = @transform_0, window_bounds = array<i64: 2048, 128>}, {transform_indices = @transform_1, window_bounds = array<i64: 2048, 128>}, {transform_indices = @transform_2, window_bounds = array<i64: 2048, 1>}, {pipeline_mode = #tpu.pipeline_mode<synchronous>, transform_indices = @transform_3, window_bounds = array<i64: 128, 128>}, {pipeline_mode = #tpu.pipeline_mode<synchronous>, transform_indices = @transform_4, window_bounds = array<i64: 1, 128>}, {pipeline_mode = #tpu.pipeline_mode<synchronous>, transform_indices = @transform_5, window_bounds = array<i64: 1, 128>}, {pipeline_mode = #tpu.pipeline_mode<synchronous>, transform_indices = @transform_6, window_bounds = array<i64: 128, 128>}, {pipeline_mode = #tpu.pipeline_mode<synchronous>, transform_indices = @transform_7, window_bounds = array<i64: 1, 128>}, {pipeline_mode = #tpu.pipeline_mode<synchronous>, transform_indices = @transform_8, window_bounds = array<i64: 128, 128>}, {pipeline_mode = #tpu.pipeline_mode<synchronous>, transform_indices = @transform_9, window_bounds = array<i64: 1, 128>}, {pipeline_mode = #tpu.pipeline_mode<synchronous>, transform_indices = @transform_10, window_bounds = array<i64: 1, 128>}, {transform_indices = @transform_11, window_bounds = array<i64: 2048, 1>}]} {
    %iota3A = tpu.iota {dimensions = array<i32: 1>} : vector<1x128xi32>
    %lt3A = arith.constant 64 : i32
    %lt3A_0 = vector.broadcast %lt3A : i32 to vector<1x128xi32>
    %lt3A_1 = arith.cmpi slt, %iota3A, %lt3A_0 : vector<1x128xi32>
    %get3A = arith.constant 0 : index
    %get3A_2 = arith.constant 0 : index
    %get3A_3 = vector.load %arg3[%get3A, %get3A_2] : memref<2048x1xf32, #tpu.memory_space<vmem>>, vector<2048x1xf32>
    %max3A = arith.constant 0.000000e+00 : f32
    %max3A_4 = vector.broadcast %max3A : f32 to vector<2048x1xf32>
    %max3A_5 = arith.maximumf %get3A_3, %max3A_4 : vector<2048x1xf32>
    %convert_element_type3A = arith.truncf %max3A_5 : vector<2048x1xf32> to vector<2048x1xbf16>
    %convert_element_type3A_6 = arith.extf %convert_element_type3A : vector<2048x1xbf16> to vector<2048x1xf32>
    %get3A_7 = arith.constant 0 : index
    %get3A_8 = arith.constant 0 : index
    %get3A_9 = vector.load %arg5[%get3A_7, %get3A_8] : memref<1x128xf32, #tpu.memory_space<vmem>>, vector<1x128xf32>
    %convert_element_type3A_10 = arith.truncf %get3A_9 : vector<1x128xf32> to vector<1x128xbf16>
    %convert_element_type3A_11 = arith.extf %convert_element_type3A_10 : vector<1x128xbf16> to vector<1x128xf32>
    %mul3A = vector.broadcast %convert_element_type3A_6 : vector<2048x1xf32> to vector<2048x128xf32>
    %mul3A_12 = vector.broadcast %convert_element_type3A_11 : vector<1x128xf32> to vector<2048x128xf32>
    %mul3A_13 = arith.mulf %mul3A, %mul3A_12 : vector<2048x128xf32>
    %get3A_14 = arith.constant 0 : index
    %get3A_15 = arith.constant 0 : index
    %get3A_16 = vector.load %arg6[%get3A_14, %get3A_15] : memref<1x128xf32, #tpu.memory_space<vmem>>, vector<1x128xf32>
    %add3A = vector.broadcast %get3A_16 : vector<1x128xf32> to vector<2048x128xf32>
    %add3A_17 = arith.addf %mul3A_13, %add3A : vector<2048x128xf32>
    %get3A_18 = arith.constant 0 : index
    %get3A_19 = arith.constant 0 : index
    %get3A_20 = vector.load %arg1[%get3A_18, %get3A_19] : memref<2048x128xf32, #tpu.memory_space<vmem>>, vector<2048x128xf32>
    %jit3A = arith.constant 0.000000e+00 : f32
    %broadcast_in_dim3A = vector.shape_cast %lt3A_1 : vector<1x128xi1> to vector<1x128xi1>
    %broadcast_in_dim3A_21 = vector.broadcast %broadcast_in_dim3A : vector<1x128xi1> to vector<2048x128xi1>
    %broadcast_in_dim3A_22 = vector.broadcast %jit3A : f32 to vector<2048x128xf32>
    %select_n3A = arith.select %broadcast_in_dim3A_21, %get3A_20, %broadcast_in_dim3A_22 : vector<2048x128xi1>, vector<2048x128xf32>
    %max3A_23 = arith.constant 0.000000e+00 : f32
    %max3A_24 = vector.broadcast %max3A_23 : f32 to vector<2048x128xf32>
    %max3A_25 = arith.maximumf %select_n3A, %max3A_24 : vector<2048x128xf32>
    %get3A_26 = arith.constant 0 : index
    %get3A_27 = arith.constant 0 : index
    %get3A_28 = vector.load %arg4[%get3A_26, %get3A_27] : memref<128x128xf32, #tpu.memory_space<vmem>>, vector<128x128xf32>
    %convert_element_type3A_29 = arith.truncf %max3A_25 : vector<2048x128xf32> to vector<2048x128xbf16>
    %convert_element_type3A_30 = arith.truncf %get3A_28 : vector<128x128xf32> to vector<128x128xbf16>
    %dot_general3A = arith.constant dense<0.000000e+00> : vector<2048x128xf32>
    %dot_general3A_31 = tpu.matmul %convert_element_type3A_29, %convert_element_type3A_30, %dot_general3A {dimension_numbers = #tpu.dot_dimension_numbers<[1], [0], [0], [1], [0, 0, 1, 1], [], []>, transpose_lhs_hint = false} : vector<2048x128xbf16>, vector<128x128xbf16>, vector<2048x128xf32> -> vector<2048x128xf32>
    %add3A_32 = arith.addf %dot_general3A_31, %add3A_17 : vector<2048x128xf32>
    %max3A_33 = arith.constant 0.000000e+00 : f32
    %max3A_34 = vector.broadcast %max3A_33 : f32 to vector<2048x128xf32>
    %max3A_35 = arith.maximumf %add3A_32, %max3A_34 : vector<2048x128xf32>
    %get3A_36 = arith.constant 0 : index
    %get3A_37 = arith.constant 0 : index
    %get3A_38 = vector.load %arg7[%get3A_36, %get3A_37] : memref<128x128xf32, #tpu.memory_space<vmem>>, vector<128x128xf32>
    %convert_element_type3A_39 = arith.truncf %max3A_35 : vector<2048x128xf32> to vector<2048x128xbf16>
    %convert_element_type3A_40 = arith.truncf %get3A_38 : vector<128x128xf32> to vector<128x128xbf16>
    %dot_general3A_41 = arith.constant dense<0.000000e+00> : vector<2048x128xf32>
    %dot_general3A_42 = tpu.matmul %convert_element_type3A_39, %convert_element_type3A_40, %dot_general3A_41 {dimension_numbers = #tpu.dot_dimension_numbers<[1], [0], [0], [1], [0, 0, 1, 1], [], []>, transpose_lhs_hint = false} : vector<2048x128xbf16>, vector<128x128xbf16>, vector<2048x128xf32> -> vector<2048x128xf32>
    %get3A_43 = arith.constant 0 : index
    %get3A_44 = arith.constant 0 : index
    %get3A_45 = vector.load %arg8[%get3A_43, %get3A_44] : memref<1x128xf32, #tpu.memory_space<vmem>>, vector<1x128xf32>
    %add3A_46 = vector.broadcast %get3A_45 : vector<1x128xf32> to vector<2048x128xf32>
    %add3A_47 = arith.addf %dot_general3A_42, %add3A_46 : vector<2048x128xf32>
    %max3A_48 = arith.constant 0.000000e+00 : f32
    %max3A_49 = vector.broadcast %max3A_48 : f32 to vector<2048x128xf32>
    %max3A_50 = arith.maximumf %add3A_47, %max3A_49 : vector<2048x128xf32>
    %get3A_51 = arith.constant 0 : index
    %get3A_52 = arith.constant 0 : index
    %get3A_53 = vector.load %arg9[%get3A_51, %get3A_52] : memref<128x128xf32, #tpu.memory_space<vmem>>, vector<128x128xf32>
    %convert_element_type3A_54 = arith.truncf %max3A_50 : vector<2048x128xf32> to vector<2048x128xbf16>
    %convert_element_type3A_55 = arith.truncf %get3A_53 : vector<128x128xf32> to vector<128x128xbf16>
    %dot_general3A_56 = arith.constant dense<0.000000e+00> : vector<2048x128xf32>
    %dot_general3A_57 = tpu.matmul %convert_element_type3A_54, %convert_element_type3A_55, %dot_general3A_56 {dimension_numbers = #tpu.dot_dimension_numbers<[1], [0], [0], [1], [0, 0, 1, 1], [], []>, transpose_lhs_hint = false} : vector<2048x128xbf16>, vector<128x128xbf16>, vector<2048x128xf32> -> vector<2048x128xf32>
    %get3A_58 = arith.constant 0 : index
    %get3A_59 = arith.constant 0 : index
    %get3A_60 = vector.load %arg10[%get3A_58, %get3A_59] : memref<1x128xf32, #tpu.memory_space<vmem>>, vector<1x128xf32>
    %add3A_61 = vector.broadcast %get3A_60 : vector<1x128xf32> to vector<2048x128xf32>
    %add3A_62 = arith.addf %dot_general3A_57, %add3A_61 : vector<2048x128xf32>
    %max3A_63 = arith.constant 0.000000e+00 : f32
    %max3A_64 = vector.broadcast %max3A_63 : f32 to vector<2048x128xf32>
    %max3A_65 = arith.maximumf %add3A_62, %max3A_64 : vector<2048x128xf32>
    %convert_element_type3A_66 = arith.truncf %max3A_65 : vector<2048x128xf32> to vector<2048x128xbf16>
    %convert_element_type3A_67 = arith.extf %convert_element_type3A_66 : vector<2048x128xbf16> to vector<2048x128xf32>
    %get3A_68 = arith.constant 0 : index
    %get3A_69 = arith.constant 0 : index
    %get3A_70 = vector.load %arg2[%get3A_68, %get3A_69] : memref<2048x128xf32, #tpu.memory_space<vmem>>, vector<2048x128xf32>
    %jit3A_71 = arith.constant 0.000000e+00 : f32
    %broadcast_in_dim3A_72 = vector.shape_cast %lt3A_1 : vector<1x128xi1> to vector<1x128xi1>
    %broadcast_in_dim3A_73 = vector.broadcast %broadcast_in_dim3A_72 : vector<1x128xi1> to vector<2048x128xi1>
    %broadcast_in_dim3A_74 = vector.broadcast %jit3A_71 : f32 to vector<2048x128xf32>
    %select_n3A_75 = arith.select %broadcast_in_dim3A_73, %get3A_70, %broadcast_in_dim3A_74 : vector<2048x128xi1>, vector<2048x128xf32>
    %max3A_76 = arith.constant 0.000000e+00 : f32
    %max3A_77 = vector.broadcast %max3A_76 : f32 to vector<2048x128xf32>
    %max3A_78 = arith.maximumf %select_n3A_75, %max3A_77 : vector<2048x128xf32>
    %get3A_79 = arith.constant 0 : index
    %get3A_80 = arith.constant 0 : index
    %get3A_81 = vector.load %arg4[%get3A_79, %get3A_80] : memref<128x128xf32, #tpu.memory_space<vmem>>, vector<128x128xf32>
    %convert_element_type3A_82 = arith.truncf %max3A_78 : vector<2048x128xf32> to vector<2048x128xbf16>
    %convert_element_type3A_83 = arith.truncf %get3A_81 : vector<128x128xf32> to vector<128x128xbf16>
    %dot_general3A_84 = arith.constant dense<0.000000e+00> : vector<2048x128xf32>
    %dot_general3A_85 = tpu.matmul %convert_element_type3A_82, %convert_element_type3A_83, %dot_general3A_84 {dimension_numbers = #tpu.dot_dimension_numbers<[1], [0], [0], [1], [0, 0, 1, 1], [], []>, transpose_lhs_hint = false} : vector<2048x128xbf16>, vector<128x128xbf16>, vector<2048x128xf32> -> vector<2048x128xf32>
    %add3A_86 = arith.addf %dot_general3A_85, %add3A_17 : vector<2048x128xf32>
    %max3A_87 = arith.constant 0.000000e+00 : f32
    %max3A_88 = vector.broadcast %max3A_87 : f32 to vector<2048x128xf32>
    %max3A_89 = arith.maximumf %add3A_86, %max3A_88 : vector<2048x128xf32>
    %get3A_90 = arith.constant 0 : index
    %get3A_91 = arith.constant 0 : index
    %get3A_92 = vector.load %arg7[%get3A_90, %get3A_91] : memref<128x128xf32, #tpu.memory_space<vmem>>, vector<128x128xf32>
    %convert_element_type3A_93 = arith.truncf %max3A_89 : vector<2048x128xf32> to vector<2048x128xbf16>
    %convert_element_type3A_94 = arith.truncf %get3A_92 : vector<128x128xf32> to vector<128x128xbf16>
    %dot_general3A_95 = arith.constant dense<0.000000e+00> : vector<2048x128xf32>
    %dot_general3A_96 = tpu.matmul %convert_element_type3A_93, %convert_element_type3A_94, %dot_general3A_95 {dimension_numbers = #tpu.dot_dimension_numbers<[1], [0], [0], [1], [0, 0, 1, 1], [], []>, transpose_lhs_hint = false} : vector<2048x128xbf16>, vector<128x128xbf16>, vector<2048x128xf32> -> vector<2048x128xf32>
    %get3A_97 = arith.constant 0 : index
    %get3A_98 = arith.constant 0 : index
    %get3A_99 = vector.load %arg8[%get3A_97, %get3A_98] : memref<1x128xf32, #tpu.memory_space<vmem>>, vector<1x128xf32>
    %add3A_100 = vector.broadcast %get3A_99 : vector<1x128xf32> to vector<2048x128xf32>
    %add3A_101 = arith.addf %dot_general3A_96, %add3A_100 : vector<2048x128xf32>
    %max3A_102 = arith.constant 0.000000e+00 : f32
    %max3A_103 = vector.broadcast %max3A_102 : f32 to vector<2048x128xf32>
    %max3A_104 = arith.maximumf %add3A_101, %max3A_103 : vector<2048x128xf32>
    %get3A_105 = arith.constant 0 : index
    %get3A_106 = arith.constant 0 : index
    %get3A_107 = vector.load %arg9[%get3A_105, %get3A_106] : memref<128x128xf32, #tpu.memory_space<vmem>>, vector<128x128xf32>
    %convert_element_type3A_108 = arith.truncf %max3A_104 : vector<2048x128xf32> to vector<2048x128xbf16>
    %convert_element_type3A_109 = arith.truncf %get3A_107 : vector<128x128xf32> to vector<128x128xbf16>
    %dot_general3A_110 = arith.constant dense<0.000000e+00> : vector<2048x128xf32>
    %dot_general3A_111 = tpu.matmul %convert_element_type3A_108, %convert_element_type3A_109, %dot_general3A_110 {dimension_numbers = #tpu.dot_dimension_numbers<[1], [0], [0], [1], [0, 0, 1, 1], [], []>, transpose_lhs_hint = false} : vector<2048x128xbf16>, vector<128x128xbf16>, vector<2048x128xf32> -> vector<2048x128xf32>
    %get3A_112 = arith.constant 0 : index
    %get3A_113 = arith.constant 0 : index
    %get3A_114 = vector.load %arg10[%get3A_112, %get3A_113] : memref<1x128xf32, #tpu.memory_space<vmem>>, vector<1x128xf32>
    %add3A_115 = vector.broadcast %get3A_114 : vector<1x128xf32> to vector<2048x128xf32>
    %add3A_116 = arith.addf %dot_general3A_111, %add3A_115 : vector<2048x128xf32>
    %max3A_117 = arith.constant 0.000000e+00 : f32
    %max3A_118 = vector.broadcast %max3A_117 : f32 to vector<2048x128xf32>
    %max3A_119 = arith.maximumf %add3A_116, %max3A_118 : vector<2048x128xf32>
    %convert_element_type3A_120 = arith.truncf %max3A_119 : vector<2048x128xf32> to vector<2048x128xbf16>
    %convert_element_type3A_121 = arith.extf %convert_element_type3A_120 : vector<2048x128xbf16> to vector<2048x128xf32>
    %sub3A = arith.subf %convert_element_type3A_67, %convert_element_type3A_121 : vector<2048x128xf32>
    %get3A_122 = arith.constant 0 : index
    %get3A_123 = arith.constant 0 : index
    %get3A_124 = vector.load %arg11[%get3A_122, %get3A_123] : memref<1x128xf32, #tpu.memory_space<vmem>>, vector<1x128xf32>
    %convert_element_type3A_125 = arith.truncf %get3A_124 : vector<1x128xf32> to vector<1x128xbf16>
    %convert_element_type3A_126 = arith.extf %convert_element_type3A_125 : vector<1x128xbf16> to vector<1x128xf32>
    %mul3A_127 = vector.broadcast %convert_element_type3A_126 : vector<1x128xf32> to vector<2048x128xf32>
    %mul3A_128 = arith.mulf %sub3A, %mul3A_127 : vector<2048x128xf32>
    %reduce_sum3A = arith.constant dense<0.000000e+00> : vector<2048xf32>
    %reduce_sum3A_129 = vector.multi_reduction <add>, %mul3A_128, %reduce_sum3A [1] : vector<2048x128xf32> to vector<2048xf32>
    %broadcast_in_dim3A_130 = vector.shape_cast %reduce_sum3A_129 : vector<2048xf32> to vector<2048x1xf32>
    %swap3A = arith.constant 0 : index
    %swap3A_131 = arith.constant 0 : index
    %swap3A_132 = vector.load %arg12[%swap3A, %swap3A_131] : memref<2048x1xf32, #tpu.memory_space<vmem>>, vector<2048x1xf32>
    tpu.vector_store %arg12[%swap3A, %swap3A_131], %broadcast_in_dim3A_130 {strides = array<i32>} : memref<2048x1xf32, #tpu.memory_space<vmem>>, vector<2048x1xf32>,
    return
  }
  func.func @transform_0(%arg0: i32) -> (i32, i32) {
    %c0_i32 = arith.constant 0 : i32
    %c0_i32_0 = arith.constant 0 : i32
    return %arg0, %c0_i32 : i32, i32
  }
  func.func @transform_1(%arg0: i32) -> (i32, i32) {
    %c0_i32 = arith.constant 0 : i32
    %c0_i32_0 = arith.constant 0 : i32
    return %arg0, %c0_i32 : i32, i32
  }
  func.func @transform_2(%arg0: i32) -> (i32, i32) {
    %c0_i32 = arith.constant 0 : i32
    %c0_i32_0 = arith.constant 0 : i32
    return %arg0, %c0_i32 : i32, i32
  }
  func.func @transform_3(%arg0: i32) -> (i32, i32) {
    %c0_i32 = arith.constant 0 : i32
    %c0_i32_0 = arith.constant 0 : i32
    %c0_i32_1 = arith.constant 0 : i32
    return %c0_i32, %c0_i32_0 : i32, i32
  }
  func.func @transform_4(%arg0: i32) -> (i32, i32) {
    %c0_i32 = arith.constant 0 : i32
    %c0_i32_0 = arith.constant 0 : i32
    %c0_i32_1 = arith.constant 0 : i32
    return %c0_i32, %c0_i32_0 : i32, i32
  }
  func.func @transform_5(%arg0: i32) -> (i32, i32) {
    %c0_i32 = arith.constant 0 : i32
    %c0_i32_0 = arith.constant 0 : i32
    %c0_i32_1 = arith.constant 0 : i32
    return %c0_i32, %c0_i32_0 : i32, i32
  }
  func.func @transform_6(%arg0: i32) -> (i32, i32) {
    %c0_i32 = arith.constant 0 : i32
    %c0_i32_0 = arith.constant 0 : i32
    %c0_i32_1 = arith.constant 0 : i32
    return %c0_i32, %c0_i32_0 : i32, i32
  }
  func.func @transform_7(%arg0: i32) -> (i32, i32) {
    %c0_i32 = arith.constant 0 : i32
    %c0_i32_0 = arith.constant 0 : i32
    %c0_i32_1 = arith.constant 0 : i32
    return %c0_i32, %c0_i32_0 : i32, i32
  }
  func.func @transform_8(%arg0: i32) -> (i32, i32) {
    %c0_i32 = arith.constant 0 : i32
    %c0_i32_0 = arith.constant 0 : i32
    %c0_i32_1 = arith.constant 0 : i32
    return %c0_i32, %c0_i32_0 : i32, i32
  }
  func.func @transform_9(%arg0: i32) -> (i32, i32) {
    %c0_i32 = arith.constant 0 : i32
    %c0_i32_0 = arith.constant 0 : i32
    %c0_i32_1 = arith.constant 0 : i32
    return %c0_i32, %c0_i32_0 : i32, i32
  }
  func.func @transform_10(%arg0: i32) -> (i32, i32) {
    %c0_i32 = arith.constant 0 : i32
    %c0_i32_0 = arith.constant 0 : i32
    %c0_i32_1 = arith.constant 0 : i32
    return %c0_i32, %c0_i32_0 : i32, i32
  }
  func.func @transform_11(%arg0: i32) -> (i32, i32) {
    %c0_i32 = arith.constant 0 : i32
    %c0_i32_0 = arith.constant 0 : i32
    return %arg0, %c0_i32 : i32, i32
  }
}

</mosaic_0001>

<sc_bundles>
// kernel: kernel.4.cloned.1.call-start
scs
__scs_entry_jumppad:
0x0: {  	(pc) =	sbr.rel $0x88, $3  }
0x1: {  	(tag) =	ssettag $0x0;
	lr =	simm.s32 $0x1  }
0x2: {  	[smem:$0x3F97] =	sst lr;
	_ =	strace $0xD0000000  }
0x3: {  	_ = 	snop  }
0x4: {  	_ = 	snop  }
0x5: {  	_ = 	snop  }
0x6: {  	_ = 	snop  }
0x7: {  	_ = 	snop  }
__scs_overlays_trampoline_lowered:
0x8: {  	[smem:$0x3FA6] =	sst s0  }
0x9: {  	[smem:$0x3FA7] =	sst s1  }
0xa: {  	[smem:$0x3FA8] =	sst s2  }
0xb: {  	[smem:$0x3FA9] =	sst s3  }
0xc: {  	[smem:$0x3FAA] =	sst s4  }
0xd: {  	[smem:$0x3FAB] =	sst s5  }
0xe: {  	[smem:$0x3FAC] =	sst s6  }
0xf: {  	[smem:$0x3FAD] =	sst s7  }
0x10: {  	[smem:$0x3FAE] =	sst s8  }
0x11: {  	[smem:$0x3FAF] =	sst s9;
	s0 =	simm.s32 @!p0 $0x0  }
0x12: {  	s1 =	sld [smem:$0x3F95];
	s0 =	simm.s32 @p0 $0x1  }
0x13: {  	[smem:$0x3FB0] =	sst s0;
	s0 =	simm.s32 @!p1 $0x0  }
0x14: {  	s2 =	sld [smem:$0x3F94];
	s0 =	simm.s32 @p1 $0x1  }
0x15: {  	[smem:$0x3FB1] =	sst s0;
	s0 =	simm.s32 @!p2 $0x0  }
0x16: {  	s3 =	sld [smem:$0x3FDB];
	s0 =	simm.s32 @p2 $0x1  }
0x17: {  	s4 =	simm.s32 $0x1BF5;
	[smem:$0x3FB3] =	sst s0  }
0x18: {  	s0 =	sld [smem:$0x3F96];
	_ =	swait.ge [sflag:s4], $0x0  }
0x19: {  	s7 =	sld [smem:$0x3F97]  }
0x1a: {  	s8 =	sadd.s32 $0xFFFFE003, lr  }
0x1b: {  	s9 =	sadd.s32 $0xFFFFFEF7, lr;
	s5 =	simm.s32 $0xFFFFFFFF;
	p2 =	slt.u32 s8, $0xFFFFF086  }
0x1c: {  	p1 =	slt.u32 s9, $0xF7A;
	s5 =	simm.s32 @!p2 $0x0  }
0x1d: {  	s5 =	simm.s32 @p1 $0x1;
	p0 =	seq.s32 s7, s2  }
0x1e: {  	s7 =	smul.u32 @!p0 $0xF7A, s2;
	p2 =	seq.s32 @!p0 s5, $0x0  }
0x1f: {  	s9 =	smul.u32 $0xF7A, s1;
	s8 =	simm.s32 @!p0 $0x1BF5;
	p2 =	por !p2, p0  }
0x20: {  	[sflag:s8] =	ssyncset.s32 @!p0 $0xFFFFF086;
	s6 =	sadd.s32 @!p0 s3, s7;
	s7 =	simm.s32 @!p0 $0x108  }
0x21: {  	s3 =	sadd.s32 s3, s9;
	s6 =	sadd.s32 @!p0 $0x88, s6;
	s7 =	simm.s32 @p2 $0x1082  }
0x22: {  	[simem:s7], [sflag:s8] =	dma.local @!p0 [hbm:s6], $0xF7A  }
0x23: {  	s9 =	sor.u32 $0xD0000000, s2;
	s6 =	simm.s32 $0x108;
	_ =	swait.ge @!p0 [sflag:s8], $0x0  }
0x24: {  	s3 =	sadd.s32 $0x88, s3;
	s6 =	simm.s32 @!p1 $0x1082;
	[sflag:s4] =	ssyncset.s32 $0xFFFFF086  }
0x25: {  	[simem:s6], [sflag:s4] =	dma.local [hbm:s3], $0xF7A  }
0x26: {  	[smem:$0x3F97] =	sst s1;
	(tag) =	ssettag s2;
	_ =	strace s9  }
0x27: {  	s1 =	sld [smem:$0x3FA7]  }
0x28: {  	s2 =	sld [smem:$0x3FA8]  }
0x29: {  	s4 =	sld [smem:$0x3FAA]  }
0x2a: {  	p0 =	seq.s32 s5, $0x0;
	s5 =	sld [smem:$0x3FAB]  }
0x2b: {  	s6 =	sld [smem:$0x3FAC]  }
0x2c: {  	s7 =	sld [smem:$0x3FAD]  }
0x2d: {  	s3 =	simm.s32 $0x108;
	s8 =	sld [smem:$0x3FAE]  }
0x2e: {  	s3 =	simm.s32 @!p0 $0x1082;
	s9 =	sld [smem:$0x3FAF]  }
0x2f: {  	lr =	sadd.s32 s0, s3;
	s0 =	sld [smem:$0x3FA6]  }
0x30: {  	s3 =	sld [smem:$0x3FA9]  }
0x31: {  	[smem:$0x3FB2] =	sst s10  }
0x32: {  	s10 =	sld [smem:$0x3FB0];
	_ =	sdelay $0x3  }
0x33: {  	p0 =	seq.s32 s10, $0x1;
	s10 =	sld [smem:$0x3FB2];
	_ =	sdelay $0x3  }
0x34: {  	[smem:$0x3FB2] =	sst s10  }
0x35: {  	s10 =	sld [smem:$0x3FB1];
	_ =	sdelay $0x3  }
0x36: {  	p1 =	seq.s32 s10, $0x1;
	s10 =	sld [smem:$0x3FB2];
	_ =	sdelay $0x3  }
0x37: {  	[smem:$0x3FB2] =	sst s10  }
0x38: {  	s10 =	sld [smem:$0x3FB3]  }
0x39: {  	_ = 	snop;
	(pc) =	sbr.ind lr, $3  }
0x3a: {  	_ = 	snop  }
0x3b: {  	_ = 	snop  }
0x3c: {  	p2 =	seq.s32 s10, $0x1;
	s10 =	sld [smem:$0x3FB2]  }
0x3d: {  	_ =	shalt  }
0x3e: {  	_ =	shalt  }
0x3f: {  	_ =	shalt  }
0x40: {  	_ =	shalt  }
0x41: {  	_ =	shalt  }
0x42: {  	_ =	shalt  }
0x43: {  	_ =	shalt  }
0x44: {  	_ =	shalt  }
0x45: {  	_ =	shalt  }
0x46: {  	_ =	shalt  }
0x47: {  	_ =	shalt  }
0x48: {  	_ =	shalt  }
0x49: {  	_ =	shalt  }
0x4a: {  	_ =	shalt  }
0x4b: {  	_ =	shalt  }
0x4c: {  	_ =	shalt  }
0x4d: {  	_ =	shalt  }
0x4e: {  	_ =	shalt  }
0x4f: {  	_ =	shalt  }
0x50: {  	_ =	shalt  }
0x51: {  	_ =	shalt  }
0x52: {  	_ =	shalt  }
0x53: {  	_ =	shalt  }
0x54: {  	_ =	shalt  }
0x55: {  	_ =	shalt  }
0x56: {  	_ =	shalt  }
0x57: {  	_ =	shalt  }
0x58: {  	_ =	shalt  }
0x59: {  	_ =	shalt  }
0x5a: {  	_ =	shalt  }
0x5b: {  	_ =	shalt  }
0x5c: {  	_ =	shalt  }
0x5d: {  	_ =	shalt  }
0x5e: {  	_ =	shalt  }
0x5f: {  	_ =	shalt  }
0x60: {  	_ =	shalt  }
0x61: {  	_ =	shalt  }
0x62: {  	_ =	shalt  }
0x63: {  	_ =	shalt  }
0x64: {  	_ =	shalt  }
0x65: {  	_ =	shalt  }
0x66: {  	_ =	shalt  }
0x67: {  	_ =	shalt  }
0x68: {  	_ =	shalt  }
0x69: {  	_ =	shalt  }
0x6a: {  	_ =	shalt  }
0x6b: {  	_ =	shalt  }
0x6c: {  	_ =	shalt  }
0x6d: {  	_ =	shalt  }
0x6e: {  	_ =	shalt  }
0x6f: {  	_ =	shalt  }
0x70: {  	_ =	shalt  }
0x71: {  	_ =	shalt  }
0x72: {  	_ =	shalt  }
0x73: {  	_ =	shalt  }
0x74: {  	_ =	shalt  }
0x75: {  	_ =	shalt  }
0x76: {  	_ =	shalt  }
0x77: {  	_ =	shalt  }
0x78: {  	_ =	shalt  }
0x79: {  	_ =	shalt  }
0x7a: {  	_ =	shalt  }
0x7b: {  	_ =	shalt  }
0x7c: {  	_ =	shalt  }
0x7d: {  	_ =	shalt  }
0x7e: {  	_ =	shalt  }
0x7f: {  	_ =	shalt  }
0x80: {  	_ =	shalt  }
0x81: {  	_ =	shalt  }
0x82: {  	_ =	shalt  }
0x83: {  	_ =	shalt  }
0x84: {  	_ =	shalt  }
0x85: {  	_ =	shalt  }
0x86: {  	_ =	shalt  }
0x87: {  	_ =	shalt  }
.Lfunc_end0:
.L_simem_size_0:
called_computation_lowered:
.L_overlay_start_0:
0x88: {  	s2 =	sld [smem:$0x3FD9]  }
0x89: {  	s3 =	sld [smem:$0x3FFE];
	_ =	sdelay $0x1  }
0x8a: {  	s1 =	srdreg.scid  }
0x8b: {  	s0 =	sand.u32 $0x1, s1  }
0x8c: {  	s17 =	sshll.u32 s0, $0xA;
	s2 =	sadd.s32 s3, s2  }
0x8d: {  	s2 =	sadd.s32 s2, s17  }
0x8e: {  	[smem:$0x3FBE] =	sst s2  }
0x8f: {  	_ = 	snop  }
0x90: {  	s2 =	sld [smem:$0x3FC9];
	(tm) =	ssettm $0x1  }
0x91: {  	s18 =	sld [smem:$0x3FFB];
	_ =	sdelay $0x3  }
0x92: {  	_ =	strace s18  }
0x93: {  	s3 =	sld [smem:$0x3FFC];
	_ =	sdelay $0x3  }
0x94: {  	_ =	strace s3  }
0x95: {  	s3 =	sld [smem:$0x3FFD];
	_ =	sdelay $0x3  }
0x96: {  	_ =	strace s3  }
0x97: {  	_ =	strace $0x8FFFFFFF  }
0x98: {  	s19 =	sld [smem:$0x3FDB];
	_ =	sdelay $0x1  }
0x99: {  	s4 =	simm.s32 $_scs_section_size  }
0x9a: {  	s5 =	simm.s32 $_size__tile_overlayer_lowered;
	s6 =	simm.s32 $_tile_overlayer_lowered  }
0x9b: {  	s22 =	simm.s32 $0x1BFF;
	s21 =	sshll.u32 s6, $0x1;
	s3 =	sadd.s32 s4, s19  }
0x9c: {  	s7 =	simm.s32 $0x0;
	s20 =	sshll.u32 s5, $0x1;
	s5 =	sadd.s32 s21, s3  }
0x9d: {  	[timem:s7], [sflag:s22] =	dma.local [hbm:s5], s20  }
0x9e: {  	_ =	swait.ge [sflag:s22], s20  }
0x9f: {  	s4 =	ssub.s32 $0x0, s20;
	[sflag:s22] =	ssyncset.done $0x0  }
0xa0: {  	[sflag:s22] =	ssyncadd.s32 s4;
	_ =	sdelay $0x1  }
0xa1: {  	s23 =	simm.s32 $0x1B8B  }
0xa2: {  	_ =	swait.ge [sflag:s23], $0x1  }
0xa3: {  	[sflag:s23] =	ssyncset.done $0x0  }
0xa4: {  	s25 =	simm.s32 $0x1B8E;
	s24 =	sld [smem:$0x3FFE];
	[sflag:s23] =	ssyncadd.s32 $0xFFFFFFFF  }
0xa5: {  	s26 =	simm.s32 $execute0_lowered;
	[smem:$0x3FD2] =	sst s25  }
0xa6: {  	s5 =	sshll.u32 s26, $0x1;
	_ =	strace $0x80000046;
	[dreg:$0x1] =	wrdreg $0xFFFFFFFF  }
0xa7: {  	s28 =	simm.s32 $_size_execute0_lowered;
	s3 =	sadd.s32 s3, s5;
	[dreg:$0x0] =	wrdreg $0x0  }
0xa8: {  	s5 =	sshll.u32 s28, $0x1;
	[dreg:$0x2] =	wrdreg s3  }
0xa9: {  	[dreg:$0x3] =	wrdreg s5  }
0xaa: {  	[dreg:$0x4] =	wrdreg $0xC0  }
0xab: {  	_ =	task [dreg:s7], $0x5FFFF  }
0xac: {  	[dreg:$0x1] =	wrdreg $0xFFFFFFFF  }
0xad: {  	[dreg:$0x0] =	wrdreg $0x60  }
0xae: {  	[dreg:$0x2] =	wrdreg s2  }
0xaf: {  	[dreg:$0x3] =	wrdreg s24  }
0xb0: {  	[dreg:$0x4] =	wrdreg $0x9  }
0xb1: {  	_ =	task.clear_ibuf [dreg:s7], $0x5FFFF;
	_ =	strace $0x90000046  }
0xb2: {  	s29 =	simm.s32 $0x9;
	_ =	strace $0x80000048  }
0xb3: {  	_ =	swait.ge [sflag:s29], $0x1  }
0xb4: {  	[sflag:s29] =	ssyncadd.s32 $0xFFFFFFFF  }
0xb5: {  	_ =	strace $0x90000048  }
0xb6: {  	_ =	sfence  }
0xb7: {  	s30 =	sld [smem:$0x0];
	_ =	sdelay $0x2  }
0xb8: {  	s31 =	sshll.u32 s1, $0xD;
	s1 =	sshrl.u32 s1, $0x2  }
0xb9: {  	s3 =	sand.u32 $0x4000, s31;
	s1 =	sadd.s32 s1, s30  }
0xba: {  	s0 =	sor.u32 s3, s0;
	s1 =	sshll.u32 s1, $0x11  }
0xbb: {  	s0 =	sor.u32 s1, s0  }
0xbc: {  	s0 =	sadd.s32 $0x8F2B, s0  }
0xbd: {  	[sflag:s0] =	ssyncadd.remote.s32 $0x1  }
0xbe: {  	_ =	sfence.sel $0xFFFF  }
0xbf: {  	[dreg:$0x0] =	wrdreg $0xFFFFFFFF;
	(pc) =	sbr.abs _section_cstart, $3  }
0xc0: {  	[dreg:$0x1] =	wrdreg $0xFFFFFFFF  }
0xc1: {  	_ =	task.clear_ibuf [dreg:s7], $0x2FFFF;
	_ =	strace $0x9FFFFFFF  }
0xc2: {  	(tm) =	ssettm $0x7FFFFFFF  }
0xc3: {  	_ =	shalt  }
tec
execute0_lowered:
.L_overlay_start_1:
0x0: {  	(tag) =	ssettag $0x1  }
0x1: {  	s3 =	rddreg [dreg:$0x0]  }
0x2: {  	s5 =	rddreg [dreg:$0x1]  }
0x3: {  	s0 =	rddreg [dreg:$0x2];
	s2 =	simm.s32 $0x0  }
0x4: {  	s4 =	srdreg.scid;
	s1 =	stileid.u32;
	s17 =	simm.s32 $0x100  }
0x5: {  	s11 =	simm.s32 $0x8400;
	[smem:$0x7FF] =	sst s2;
	s6 =	sand.u32 $0x1, s4  }
0x6: {  	s10 =	sshll.u32 s1, $0x7;
	_ =	strace $0x80000047;
	s8 =	sshll.u32 s6, $0x6  }
0x7: {  	s9 =	sshll.u32 s6, $0xD;
	s6 =	ssub.s32 $0x2, s6;
	s3 =	sadd.s32 s3, s8  }
0x8: {  	s31 =	sshrl.u32 s6, $0x1;
	s19 =	sadd.s32 s10, s3;
	s3 =	simm.s32 $0x2  }
0x9: {  	[tilespmem:s2], [sflag:$0x2] =	stream.linear.gather [hbm4b:s19+s2], $0x200, $0x38;
	[tilespmem:$0x10400] =	vst v63  }
0xa: {  	s18 =	simm.s32 $0x180;
	s6 =	ssub.s32 s6, s31;
	_ =	swait.ge [sflag:s3], $0x200  }
0xb: {  	s12 =	simm.s32 $0xC400;
	s20 =	smax.u32 s6, $0x1;
	[sflag:s3] =	ssyncset.done $0x0  }
0xc: {  	s13 =	simm.s32 $0x200;
	p0 =	sne.s32 s20, $0x1;
	[sflag:s3] =	ssyncadd.s32 $0xFFFFFE00  }
.Ltmp0:
0xd: {  	s14 =	simm.s32 $0x280;
	s7 =	sshll.u32 s1, $0xE;
	v4 =	vld [tilespmem:$0xC0];
	(pc) =	sbr.rel @!p0 .LBB2_2-.Ltmp0, $4  }
0xe: {  	s15 =	simm.s32 $0x300;
	s16 =	simm.s32 $0x380;
	s7 =	sor.u32 s9, s7;
	v5 =	vld [tilespmem:$0x80]  }
0xf: {  	s4 =	sadd.s32 $0xF44200, s5;
	s8 =	simm.s32 $0x80;
	s5 =	sadd.s32 s7, s5;
	v3 =	vld [tilespmem:$0x130]  }
0x10: {  	s10 =	simm.s32 $0x4400;
	s7 =	simm.s32 $0x1;
	s9 =	sadd.s32 $0x1E00, s5;
	v2 =	vld [tilespmem:$0x110]  }
0x11: {  	v0 =	vimm.s32 $0xFFF85EE0;
	s5 =	sadd.s32 $0x41E00, s5;
	s6 =	simm.s32 $0x400;
	s20 =	sadd.s32 $0xFFFFFFFF, s20;
	v1 =	vld [tilespmem:$0x0]  }
.LBB2_1:
0x12: {  	p0 =	sne.s32 s20, $0x1;
	s20 =	sadd.s32 $0xFFFFFFFF, s20;
	vm0 =	vlt.s32 v4, $0x7A120;
	v6 =	vld [tilespmem:$0x1A0]  }
0x13: {  	vm1 =	vlt.s32 v5, $0x7A120;
	v7 =	vld [tilespmem:$0x100]  }
0x14: {  	v10 =	vsel vm0, $0x7A120, v0;
	v8 =	vld [tilespmem:$0x10];
	v9 =	vsel vm1, $0x7A120, v0;
	vm0 =	vlt.s32 v3, $0x7A120  }
0x15: {  	v4 =	vadd.s32 v4, v10;
	v5 =	vadd.s32 v5, v9;
	vm1 =	vlt.s32 v2, $0x7A120;
	v9 =	vld [tilespmem:$0x180]  }
0x16: {  	v12 =	vsel vm0, $0x7A120, v0;
	vm2 =	vlt.s32 v1, $0x7A120;
	v10 =	vsel vm1, $0x7A120, v0;
	v11 =	vld [tilespmem:$0x120]  }
0x17: {  	v3 =	vadd.s32 v3, v12;
	v13 =	vsel vm2, $0x7A120, v0;
	[tilespmem:$0x2C0] =	vst v4;
	v2 =	vadd.s32 v2, v10;
	v4 =	vld [tilespmem:$0x190]  }
0x18: {  	vm1 =	vlt.s32 v6, $0x7A120;
	v1 =	vadd.s32 v1, v13;
	vm0 =	vlt.s32 v7, $0x7A120;
	[tilespmem:$0x330] =	vst v3;
	v3 =	vld [tilespmem:$0x170]  }
0x19: {  	v10 =	vsel vm1, $0x7A120, v0;
	vm2 =	vlt.s32 v8, $0x7A120;
	[tilespmem:$0x280] =	vst v5;
	v5 =	vsel vm0, $0x7A120, v0;
	v12 =	vld [tilespmem:$0x1E0]  }
0x1a: {  	v13 =	vsel vm2, $0x7A120, v0;
	v5 =	vadd.s32 v7, v5;
	v7 =	vld [tilespmem:$0x160];
	vm0 =	vlt.s32 v9, $0x7A120  }
0x1b: {  	v8 =	vadd.s32 v8, v13;
	[tilespmem:$0x300] =	vst v5;
	vm1 =	vlt.s32 v11, $0x7A120;
	v5 =	vld [tilespmem:$0x150];
	v13 =	vsel vm0, $0x7A120, v0  }
0x1c: {  	[tilespmem:$0x310] =	vst v2;
	v2 =	vsel vm1, $0x7A120, v0;
	v9 =	vadd.s32 v9, v13;
	vm0 =	vlt.s32 v4, $0x7A120  }
0x1d: {  	v2 =	vadd.s32 v11, v2;
	vm1 =	vlt.s32 v3, $0x7A120;
	[tilespmem:$0x380] =	vst v9;
	v9 =	vsel vm0, $0x7A120, v0;
	v11 =	vld [tilespmem:$0x1F0]  }
0x1e: {  	v6 =	vadd.s32 v6, v10;
	[tilespmem:$0x210] =	vst v8;
	v8 =	vsel vm1, $0x7A120, v0;
	v4 =	vadd.s32 v4, v9  }
0x1f: {  	vm1 =	vlt.s32 v12, $0x7A120;
	vm0 =	vlt.s32 v7, $0x7A120;
	v3 =	vadd.s32 v3, v8;
	[tilespmem:$0x3A0] =	vst v6;
	v6 =	vld [tilespmem:$0x1D0]  }
0x20: {  	v9 =	vsel vm1, $0x7A120, v0;
	[tilespmem:$0x200] =	vst v1;
	vm2 =	vlt.s32 v5, $0x7A120;
	v1 =	vsel vm0, $0x7A120, v0;
	v8 =	vld [tilespmem:$0x1C0]  }
0x21: {  	v10 =	vsel vm2, $0x7A120, v0;
	v1 =	vadd.s32 v7, v1;
	[tilespmem:$0x390] =	vst v4;
	v4 =	vld [tilespmem:$0x1B0];
	v7 =	vadd.s32 v12, v9  }
0x22: {  	v9 =	vld [tilespmem:$0xF0];
	v5 =	vadd.s32 v5, v10;
	[tilespmem:$0x3E0] =	vst v7;
	vm0 =	vlt.s32 v11, $0x7A120  }
0x23: {  	v7 =	vld [tilespmem:$0xB0];
	[tilespmem:$0x350] =	vst v5;
	v5 =	vsel vm0, $0x7A120, v0  }
0x24: {  	v10 =	vld [tilespmem:$0x140];
	[tilespmem:$0x370] =	vst v3;
	vm0 =	vlt.s32 v6, $0x7A120;
	v3 =	vadd.s32 v11, v5  }
0x25: {  	v5 =	vld [tilespmem:$0x40];
	[tilespmem:$0x320] =	vst v2;
	vm1 =	vlt.s32 v8, $0x7A120;
	v2 =	vsel vm0, $0x7A120, v0  }
0x26: {  	v11 =	vld [tilespmem:$0x70];
	vm0 =	vlt.s32 v4, $0x7A120;
	v12 =	vsel vm1, $0x7A120, v0;
	v2 =	vadd.s32 v6, v2;
	[tilespmem:$0x3F0] =	vst v3  }
0x27: {  	v3 =	vld [tilespmem:$0x50];
	vm1 =	vlt.s32 v9, $0x7A120;
	[tilespmem:$0x360] =	vst v1;
	v1 =	vsel vm0, $0x7A120, v0;
	v6 =	vadd.s32 v8, v12  }
0x28: {  	v8 =	vld [tilespmem:$0x30];
	vm0 =	vlt.s32 v7, $0x7A120;
	v12 =	vsel vm1, $0x7A120, v0;
	v1 =	vadd.s32 v4, v1;
	[tilespmem:$0x3D0] =	vst v2  }
0x29: {  	v2 =	vld [tilespmem:$0x20];
	v4 =	vsel vm0, $0x7A120, v0;
	v9 =	vadd.s32 v9, v12;
	[tilespmem:$0x3C0] =	vst v6  }
0x2a: {  	vm0 =	vlt.s32 v5, $0x7A120;
	v4 =	vadd.s32 v7, v4;
	v6 =	vld [tilespmem:$0xE0];
	[tilespmem:$0x3B0] =	vst v1  }
0x2b: {  	v1 =	vsel vm0, $0x7A120, v0;
	vm1 =	vlt.s32 v11, $0x7A120;
	v7 =	vld [tilespmem:$0x90];
	[tilespmem:$0x2F0] =	vst v9;
	vm0 =	vlt.s32 v10, $0x7A120  }
0x2c: {  	v1 =	vadd.s32 v5, v1;
	vm2 =	vlt.s32 v3, $0x7A120;
	v5 =	vld [tilespmem:$0x60];
	v9 =	vsel vm1, $0x7A120, v0;
	[tilespmem:$0x2B0] =	vst v4  }
0x2d: {  	vm1 =	vlt.s32 v8, $0x7A120;
	[tilespmem:$0x240] =	vst v1;
	v1 =	vsel vm2, $0x7A120, v0;
	v4 =	vadd.s32 v11, v9;
	v9 =	vld [tilespmem:$0xA0]  }
0x2e: {  	vm2 =	vlt.s32 v2, $0x7A120;
	v11 =	vsel vm1, $0x7A120, v0;
	v1 =	vadd.s32 v3, v1;
	[tilespmem:$0x270] =	vst v4;
	v3 =	vld [tilespmem:$0xD0]  }
0x2f: {  	v4 =	vsel vm2, $0x7A120, v0;
	v8 =	vadd.s32 v8, v11;
	[tilespmem:$0x250] =	vst v1;
	vm1 =	vlt.s32 v6, $0x7A120  }
0x30: {  	v1 =	vadd.s32 v2, v4;
	[tilespmem:$0x230] =	vst v8;
	vm2 =	vlt.s32 v7, $0x7A120;
	v2 =	vsel vm1, $0x7A120, v0  }
0x31: {  	[tilespmem:$0x220] =	vst v1;
	vm1 =	vlt.s32 v5, $0x7A120;
	v1 =	vsel vm2, $0x7A120, v0;
	v2 =	vadd.s32 v6, v2  }
0x32: {  	v4 =	vsel vm1, $0x7A120, v0;
	v1 =	vadd.s32 v7, v1;
	[tilespmem:$0x2E0] =	vst v2;
	v2 =	vsel vm0, $0x7A120, v0  }
0x33: {  	vm0 =	vlt.s32 v9, $0x7A120;
	v4 =	vadd.s32 v5, v4;
	[tilespmem:$0x290] =	vst v1;
	v1 =	vadd.s32 v10, v2  }
0x34: {  	v2 =	vsel vm0, $0x7A120, v0;
	vm0 =	vlt.s32 v3, $0x7A120;
	[tilespmem:$0x260] =	vst v4  }
0x35: {  	v2 =	vadd.s32 v9, v2;
	v4 =	vsel vm0, $0x7A120, v0;
	[tilespmem:$0x340] =	vst v1  }
0x36: {  	v1 =	vadd.s32 v3, v4;
	[tilespmem:$0x2A0] =	vst v2  }
0x37: {  	[tilespmem:$0x2D0] =	vst v1  }
0x38: {  	[tilespmem:s6], [sflag:$0x1] =	stream.indirect.gather [hbm4b:s4+s8], $0x80, s2, s8, $0xb8;
	[tilespmem:$0x10400] =	vst v63  }
0x39: {  	_ = 	snop  }
0x3a: {  	[tilespmem:s10], [sflag:$0x1] =	stream.indirect.gather [hbm4b:s4+s8], $0x80, s8, s8, $0xb8;
	[tilespmem:$0x10400] =	vst v63  }
0x3b: {  	_ = 	snop  }
0x3c: {  	[tilespmem:s11], [sflag:$0x1] =	stream.indirect.gather [hbm4b:s4+s8], $0x80, s17, s8, $0xb8;
	[tilespmem:$0x10400] =	vst v63  }
0x3d: {  	_ = 	snop  }
0x3e: {  	[tilespmem:s12], [sflag:$0x1] =	stream.indirect.gather [hbm4b:s4+s8], $0x80, s18, s8, $0xb8;
	[tilespmem:$0x10400] =	vst v63  }
0x3f: {  	_ =	swait.ge [sflag:s7], $0x4000  }
0x40: {  	[sflag:s7] =	ssyncset.done $0x0  }
0x41: {  	[sflag:s7] =	ssyncadd.s32 $0xFFFFC000  }
0x42: {  	_ =	swait.ge [sflag:s7], $0x4000  }
0x43: {  	[sflag:s7] =	ssyncset.done $0x0  }
0x44: {  	[sflag:s7] =	ssyncadd.s32 $0xFFFFC000  }
0x45: {  	_ =	swait.ge [sflag:s7], $0x4000  }
0x46: {  	[sflag:s7] =	ssyncset.done $0x0  }
0x47: {  	[sflag:s7] =	ssyncadd.s32 $0xFFFFC000  }
0x48: {  	_ =	swait.ge [sflag:s7], $0x4000  }
0x49: {  	[sflag:s7] =	ssyncset.done $0x0  }
0x4a: {  	[sflag:s7] =	ssyncadd.s32 $0xFFFFC000  }
0x4b: {  	[hbm4b:s9+s2] =	stream.linear.scatter [tilespmem:s6], [sflag:$0x2], $0x10000, $0x38;
	[tilespmem:$0x10400] =	vst v63  }
0x4c: {  	_ =	swait.ge [sflag:s3], $0x10000  }
0x4d: {  	[sflag:s3] =	ssyncset.done $0x0  }
0x4e: {  	[sflag:s3] =	ssyncadd.s32 $0xFFFF0000  }
0x4f: {  	[tilespmem:s6], [sflag:$0x1] =	stream.indirect.gather [hbm4b:s4+s8], $0x80, s13, s8, $0xb8;
	[tilespmem:$0x10400] =	vst v63  }
0x50: {  	_ = 	snop  }
0x51: {  	[tilespmem:s10], [sflag:$0x1] =	stream.indirect.gather [hbm4b:s4+s8], $0x80, s14, s8, $0xb8;
	[tilespmem:$0x10400] =	vst v63  }
0x52: {  	_ = 	snop  }
0x53: {  	[tilespmem:s11], [sflag:$0x1] =	stream.indirect.gather [hbm4b:s4+s8], $0x80, s15, s8, $0xb8;
	[tilespmem:$0x10400] =	vst v63  }
0x54: {  	_ = 	snop  }
0x55: {  	[tilespmem:s12], [sflag:$0x1] =	stream.indirect.gather [hbm4b:s4+s8], $0x80, s16, s8, $0xb8;
	[tilespmem:$0x10400] =	vst v63  }
0x56: {  	_ =	swait.ge [sflag:s7], $0x4000  }
0x57: {  	[sflag:s7] =	ssyncset.done $0x0  }
0x58: {  	[sflag:s7] =	ssyncadd.s32 $0xFFFFC000  }
0x59: {  	_ =	swait.ge [sflag:s7], $0x4000  }
0x5a: {  	[sflag:s7] =	ssyncset.done $0x0  }
0x5b: {  	[sflag:s7] =	ssyncadd.s32 $0xFFFFC000  }
0x5c: {  	_ =	swait.ge [sflag:s7], $0x4000  }
0x5d: {  	[sflag:s7] =	ssyncset.done $0x0  }
0x5e: {  	[sflag:s7] =	ssyncadd.s32 $0xFFFFC000  }
0x5f: {  	_ =	swait.ge [sflag:s7], $0x4000  }
0x60: {  	[sflag:s7] =	ssyncset.done $0x0  }
0x61: {  	[sflag:s7] =	ssyncadd.s32 $0xFFFFC000  }
0x62: {  	[hbm4b:s5+s2] =	stream.linear.scatter [tilespmem:s6], [sflag:$0x2], $0x10000, $0x38;
	[tilespmem:$0x10400] =	vst v63  }
0x63: {  	_ =	swait.ge [sflag:s3], $0x10000  }
0x64: {  	[sflag:s3] =	ssyncset.done $0x0  }
0x65: {  	[sflag:s3] =	ssyncadd.s32 $0xFFFF0000  }
0x66: {  	[tilespmem:s2], [sflag:$0x2] =	stream.linear.gather [hbm4b:s19+s2], $0x200, $0x38;
	[tilespmem:$0x10400] =	vst v63  }
0x67: {  	_ =	swait.ge [sflag:s3], $0x200  }
0x68: {  	[sflag:s3] =	ssyncset.done $0x0  }
0x69: {  	[sflag:s3] =	ssyncadd.s32 $0xFFFFFE00  }
.Ltmp1:
0x6a: {  	v4 =	vld [tilespmem:$0xC0];
	(pc) =	sbr.rel @p0 .LBB2_1-.Ltmp1, $4  }
0x6b: {  	v5 =	vld [tilespmem:$0x80]  }
0x6c: {  	v3 =	vld [tilespmem:$0x130]  }
0x6d: {  	v2 =	vld [tilespmem:$0x110]  }
0x6e: {  	v1 =	vld [tilespmem:$0x0]  }
.LBB2_2:
0x6f: {  	v6 =	vld [tilespmem:$0x100];
	vm0 =	vlt.s32 v4, $0x7A120  }
0x70: {  	v7 =	vld [tilespmem:$0x180];
	v9 =	vsel vm0, $0x7A120, v0;
	vm1 =	vlt.s32 v5, $0x7A120  }
0x71: {  	v8 =	vld [tilespmem:$0x10];
	vm10 =	vlt.s32 v3, $0x7A120;
	v53 =	vadd.s32 v4, v9;
	v11 =	vsel vm1, $0x7A120, v0  }
0x72: {  	v10 =	vld [tilespmem:$0x1A0];
	v54 =	vsel vm10, $0x7A120, v0;
	[tilespmem:$0x2C0] =	vst v53;
	v56 =	vadd.s32 v5, v11;
	vm12 =	vlt.s32 v2, $0x7A120  }
0x73: {  	v57 =	vld [tilespmem:$0x190];
	v55 =	vadd.s32 v3, v54;
	v59 =	vsel vm12, $0x7A120, v0;
	[tilespmem:$0x280] =	vst v56;
	vm4 =	vlt.s32 v1, $0x7A120  }
0x74: {  	v60 =	vld [tilespmem:$0x1E0];
	vm11 =	vlt.s32 v6, $0x7A120;
	[tilespmem:$0x330] =	vst v55;
	v61 =	vadd.s32 v2, v59;
	v17 =	vsel vm4, $0x7A120, v0  }
0x75: {  	v12 =	vld [tilespmem:$0x170];
	vm13 =	vlt.s32 v7, $0x7A120;
	v58 =	vsel vm11, $0x7A120, v0;
	[tilespmem:$0x310] =	vst v61;
	v19 =	vadd.s32 v1, v17  }
0x76: {  	v18 =	vld [tilespmem:$0x1F0];
	vm14 =	vlt.s32 v8, $0x7A120;
	v63 =	vsel vm13, $0x7A120, v0;
	v3 =	vadd.s32 v6, v58;
	[tilespmem:$0x200] =	vst v19  }
0x77: {  	v22 =	vld [tilespmem:$0x1D0];
	vm15 =	vlt.s32 v10, $0x7A120;
	v13 =	vsel vm14, $0x7A120, v0;
	v14 =	vadd.s32 v7, v63;
	[tilespmem:$0x300] =	vst v3  }
0x78: {  	v30 =	vld [tilespmem:$0xB0];
	vm5 =	vlt.s32 v57, $0x7A120;
	v16 =	vsel vm15, $0x7A120, v0;
	v8 =	vadd.s32 v8, v13;
	[tilespmem:$0x380] =	vst v14  }
0x79: {  	v62 =	vld [tilespmem:$0x150];
	vm6 =	vlt.s32 v60, $0x7A120;
	v21 =	vsel vm5, $0x7A120, v0;
	v7 =	vadd.s32 v10, v16;
	[tilespmem:$0x210] =	vst v8  }
0x7a: {  	v15 =	vld [tilespmem:$0x120];
	vm8 =	vlt.s32 v12, $0x7A120;
	v23 =	vsel vm6, $0x7A120, v0;
	v5 =	vadd.s32 v57, v21;
	[tilespmem:$0x3A0] =	vst v7  }
0x7b: {  	v20 =	vld [tilespmem:$0x160];
	vm10 =	vlt.s32 v18, $0x7A120;
	v26 =	vsel vm8, $0x7A120, v0;
	v1 =	vadd.s32 v60, v23;
	[tilespmem:$0x390] =	vst v5  }
0x7c: {  	v24 =	vld [tilespmem:$0x1C0];
	vm12 =	vlt.s32 v22, $0x7A120;
	v31 =	vsel vm10, $0x7A120, v0;
	v4 =	vadd.s32 v12, v26;
	[tilespmem:$0x3E0] =	vst v1  }
0x7d: {  	v29 =	vld [tilespmem:$0xF0];
	vm4 =	vlt.s32 v30, $0x7A120;
	v35 =	vsel vm12, $0x7A120, v0;
	v6 =	vadd.s32 v18, v31;
	[tilespmem:$0x370] =	vst v4  }
0x7e: {  	v33 =	vld [tilespmem:$0x40];
	vm7 =	vlt.s32 v62, $0x7A120;
	v43 =	vsel vm4, $0x7A120, v0;
	v2 =	vadd.s32 v22, v35;
	[tilespmem:$0x3F0] =	vst v6  }
0x7f: {  	v36 =	vld [tilespmem:$0x70];
	vm9 =	vlt.s32 v15, $0x7A120;
	v25 =	vsel vm7, $0x7A120, v0;
	v45 =	vadd.s32 v30, v43;
	[tilespmem:$0x3D0] =	vst v2  }
0x80: {  	v40 =	vld [tilespmem:$0x30];
	v28 =	vsel vm9, $0x7A120, v0;
	vm11 =	vlt.s32 v20, $0x7A120;
	v3 =	vadd.s32 v62, v25;
	[tilespmem:$0x2B0] =	vst v45  }
0x81: {  	v42 =	vld [tilespmem:$0x20];
	vm13 =	vlt.s32 v24, $0x7A120;
	v32 =	vsel vm11, $0x7A120, v0;
	v1 =	vadd.s32 v15, v28;
	[tilespmem:$0x350] =	vst v3  }
0x82: {  	v44 =	vld [tilespmem:$0xE0];
	vm15 =	vlt.s32 v29, $0x7A120;
	v37 =	vsel vm13, $0x7A120, v0;
	v34 =	vadd.s32 v20, v32;
	[tilespmem:$0x320] =	vst v1  }
0x83: {  	v27 =	vld [tilespmem:$0x1B0];
	vm5 =	vlt.s32 v33, $0x7A120;
	v41 =	vsel vm15, $0x7A120, v0;
	v6 =	vadd.s32 v24, v37;
	[tilespmem:$0x360] =	vst v34  }
0x84: {  	v38 =	vld [tilespmem:$0x50];
	vm6 =	vlt.s32 v36, $0x7A120;
	v46 =	vsel vm5, $0x7A120, v0;
	v2 =	vadd.s32 v29, v41;
	[tilespmem:$0x3C0] =	vst v6  }
0x85: {  	v49 =	vld [tilespmem:$0x60];
	vm8 =	vlt.s32 v40, $0x7A120;
	v50 =	vsel vm6, $0x7A120, v0;
	v48 =	vadd.s32 v33, v46;
	[tilespmem:$0x2F0] =	vst v2  }
0x86: {  	v47 =	vld [tilespmem:$0x90];
	vm9 =	vlt.s32 v42, $0x7A120;
	v54 =	vsel vm8, $0x7A120, v0;
	v4 =	vadd.s32 v36, v50;
	[tilespmem:$0x240] =	vst v48  }
0x87: {  	v51 =	vld [tilespmem:$0x140];
	vm10 =	vlt.s32 v44, $0x7A120;
	v56 =	vsel vm9, $0x7A120, v0;
	v8 =	vadd.s32 v40, v54;
	[tilespmem:$0x270] =	vst v4  }
0x88: {  	v53 =	vld [tilespmem:$0xA0];
	vm14 =	vlt.s32 v27, $0x7A120;
	v58 =	vsel vm10, $0x7A120, v0;
	v57 =	vadd.s32 v42, v56;
	[tilespmem:$0x230] =	vst v8  }
0x89: {  	v55 =	vld [tilespmem:$0xD0];
	vm7 =	vlt.s32 v38, $0x7A120;
	v39 =	vsel vm14, $0x7A120, v0;
	v5 =	vadd.s32 v44, v58;
	[tilespmem:$0x220] =	vst v57  }
0x8a: {  	vm12 =	vlt.s32 v49, $0x7A120;
	v52 =	vsel vm7, $0x7A120, v0;
	v1 =	vadd.s32 v27, v39;
	[tilespmem:$0x2E0] =	vst v5  }
0x8b: {  	vm11 =	vlt.s32 v47, $0x7A120;
	v60 =	vsel vm12, $0x7A120, v0;
	v2 =	vadd.s32 v38, v52;
	[tilespmem:$0x3B0] =	vst v1  }
0x8c: {  	vm13 =	vlt.s32 v51, $0x7A120;
	v59 =	vsel vm11, $0x7A120, v0;
	v3 =	vadd.s32 v49, v60;
	[tilespmem:$0x250] =	vst v2  }
0x8d: {  	v61 =	vsel vm13, $0x7A120, v0;
	vm14 =	vlt.s32 v53, $0x7A120;
	v2 =	vadd.s32 v47, v59;
	[tilespmem:$0x260] =	vst v3  }
0x8e: {  	v62 =	vsel vm14, $0x7A120, v0;
	v1 =	vadd.s32 v51, v61;
	vm15 =	vlt.s32 v55, $0x7A120;
	[tilespmem:$0x290] =	vst v2  }
0x8f: {  	v2 =	vadd.s32 v53, v62;
	v63 =	vsel vm15, $0x7A120, v0;
	[tilespmem:$0x340] =	vst v1  }
0x90: {  	[tilespmem:$0x2A0] =	vst v2;
	v0 =	vadd.s32 v55, v63  }
0x91: {  	[tilespmem:$0x2D0] =	vst v0  }
0x92: {  	[tilespmem:s6], [sflag:$0x1] =	stream.indirect.gather [hbm4b:s4+s8], $0x80, s2, s8, $0xb8;
	[tilespmem:$0x10400] =	vst v63  }
0x93: {  	_ = 	snop  }
0x94: {  	[tilespmem:s10], [sflag:$0x1] =	stream.indirect.gather [hbm4b:s4+s8], $0x80, s8, s8, $0xb8;
	[tilespmem:$0x10400] =	vst v63  }
0x95: {  	_ = 	snop  }
0x96: {  	[tilespmem:s11], [sflag:$0x1] =	stream.indirect.gather [hbm4b:s4+s8], $0x80, s17, s8, $0xb8;
	[tilespmem:$0x10400] =	vst v63  }
0x97: {  	_ = 	snop  }
0x98: {  	[tilespmem:s12], [sflag:$0x1] =	stream.indirect.gather [hbm4b:s4+s8], $0x80, s18, s8, $0xb8;
	[tilespmem:$0x10400] =	vst v63  }
0x99: {  	_ =	swait.ge [sflag:s7], $0x4000  }
0x9a: {  	[sflag:s7] =	ssyncset.done $0x0  }
0x9b: {  	[sflag:s7] =	ssyncadd.s32 $0xFFFFC000  }
0x9c: {  	_ =	swait.ge [sflag:s7], $0x4000  }
0x9d: {  	[sflag:s7] =	ssyncset.done $0x0  }
0x9e: {  	[sflag:s7] =	ssyncadd.s32 $0xFFFFC000  }
0x9f: {  	_ =	swait.ge [sflag:s7], $0x4000  }
0xa0: {  	[sflag:s7] =	ssyncset.done $0x0  }
0xa1: {  	[sflag:s7] =	ssyncadd.s32 $0xFFFFC000  }
0xa2: {  	_ =	swait.ge [sflag:s7], $0x4000  }
0xa3: {  	[sflag:s7] =	ssyncset.done $0x0  }
0xa4: {  	[sflag:s7] =	ssyncadd.s32 $0xFFFFC000  }
0xa5: {  	[hbm4b:s9+s2] =	stream.linear.scatter [tilespmem:s6], [sflag:$0x2], $0x10000, $0x38;
	[tilespmem:$0x10400] =	vst v63  }
0xa6: {  	_ =	swait.ge [sflag:s3], $0x10000  }
0xa7: {  	[sflag:s3] =	ssyncset.done $0x0  }
0xa8: {  	[sflag:s3] =	ssyncadd.s32 $0xFFFF0000  }
0xa9: {  	[tilespmem:s6], [sflag:$0x1] =	stream.indirect.gather [hbm4b:s4+s8], $0x80, s13, s8, $0xb8;
	[tilespmem:$0x10400] =	vst v63  }
0xaa: {  	_ = 	snop  }
0xab: {  	[tilespmem:s10], [sflag:$0x1] =	stream.indirect.gather [hbm4b:s4+s8], $0x80, s14, s8, $0xb8;
	[tilespmem:$0x10400] =	vst v63  }
0xac: {  	_ = 	snop  }
0xad: {  	[tilespmem:s11], [sflag:$0x1] =	stream.indirect.gather [hbm4b:s4+s8], $0x80, s15, s8, $0xb8;
	[tilespmem:$0x10400] =	vst v63  }
0xae: {  	_ = 	snop  }
0xaf: {  	[tilespmem:s12], [sflag:$0x1] =	stream.indirect.gather [hbm4b:s4+s8], $0x80, s16, s8, $0xb8;
	[tilespmem:$0x10400] =	vst v63  }
0xb0: {  	_ =	swait.ge [sflag:s7], $0x4000  }
0xb1: {  	[sflag:s7] =	ssyncset.done $0x0  }
0xb2: {  	[sflag:s7] =	ssyncadd.s32 $0xFFFFC000  }
0xb3: {  	_ =	swait.ge [sflag:s7], $0x4000  }
0xb4: {  	[sflag:s7] =	ssyncset.done $0x0  }
0xb5: {  	[sflag:s7] =	ssyncadd.s32 $0xFFFFC000  }
0xb6: {  	_ =	swait.ge [sflag:s7], $0x4000  }
0xb7: {  	[sflag:s7] =	ssyncset.done $0x0  }
0xb8: {  	[sflag:s7] =	ssyncadd.s32 $0xFFFFC000  }
0xb9: {  	_ =	swait.ge [sflag:s7], $0x4000  }
0xba: {  	[sflag:s7] =	ssyncset.done $0x0  }
0xbb: {  	[sflag:s7] =	ssyncadd.s32 $0xFFFFC000  }
0xbc: {  	[hbm4b:s5+s2] =	stream.linear.scatter [tilespmem:s6], [sflag:$0x2], $0x10000, $0x38;
	[tilespmem:$0x10400] =	vst v63  }
0xbd: {  	_ =	swait.ge [sflag:s3], $0x10000  }
0xbe: {  	[sflag:s3] =	ssyncset.done $0x0  }
0xbf: {  	[sflag:s3] =	ssyncadd.s32 $0xFFFF0000  }
0xc0: {  	_ =	sfence.sel $0x180000  }
0xc1: {  	[bflag:$0x0] =	sbarrier.arrive $0xFFFF  }
0xc2: {  	p0 =	sne.s32 s1, $0x0;
	_ =	strace $0x90000047  }
0xc3: {  	s0 =	sadd.s32 @!p0 $0x100000, s0;
	[bflag:$0x2] =	sbarrier.arrive $0xFFFF  }
0xc4: {  	[sflag:s0] =	ssyncadd.tile.s32 @!p0 $0x1;
	_ =	shalt  }
.Lfunc_end2:
_tile_overlayer_lowered:
.L_overlay_start_2:
0xc5: {  	(tag) =	ssettag $0x2  }
0xc6: {  	s0 =	rddreg [dreg:$0x0];
	s2 =	stileid.u32  }
0xc7: {  	s1 =	rddreg [dreg:$0x1];
	p0 =	sne.s32 s2, $0x0  }
0xc8: {  	s3 =	rddreg [dreg:$0x2];
	[bflag:$0x3] =	sbarrier.arrive $0xFFFF;
	s2 =	simm.s32 @!p0 $0x1C02  }
0xc9: {  	[timem:s3], [sflag:s2] =	dma.local @!p0 [hbm:s0], s1  }
0xca: {  	s0 =	simm.s32 @!p0 $0x2  }
0xcb: {  	_ =	swait.ge @!p0 [sflag:s0], s1  }
0xcc: {  	s1 =	ssub.s32 @!p0 $0x0, s1;
	[sflag:s0] =	ssyncset.done @!p0 $0x0  }
0xcd: {  	[sflag:s0] =	ssyncadd.s32 @!p0 s1  }
0xce: {  	[bflag:$0x3] =	sbarrier.arrive $0xFFFF  }
0xcf: {  	_ =	shalt  }

</sc_bundles>
